<compile_context>
chip_gen: v7x
topology: tpu7x:2x2x1
jax: 0.10.2.dev20260603
libtpu: 0.0.44.dev20260713+nightly
codegen_flags: <defaults>
</compile_context>

<pallas_src>
import functools
import jax
import jax.numpy as jnp
from jax import lax
from jax.experimental import pallas as pl
from jax.experimental.pallas import tpu as pltpu
from jax.experimental.pallas import tpu_sc as plsc

_RATIO = 0.25
_R2 = 0.2 * 0.2
_K = 64


def _b16(v):
    return v.astype(jnp.bfloat16).astype(jnp.float32)



def _fps_body(px_ref, py_ref, pz_ref, idx_ref, dists_ref, rm_ref, *, m):
    px = px_ref[:]
    py = py_ref[:]
    pz = pz_ref[:]
    rows, cols = px.shape
    iota_r = lax.broadcasted_iota(jnp.int32, (rows, cols), 0)
    iota_c = lax.broadcasted_iota(jnp.int32, (rows, cols), 1)
    flat = iota_r * cols + iota_c

    px0 = px_ref[0, 0]
    py0 = py_ref[0, 0]
    pz0 = pz_ref[0, 0]
    d0 = (px - px0) ** 2 + (py - py0) ** 2 + (pz - pz0) ** 2
    dists_ref[:] = d0
    idx_ref[0:1, 0:1] = jnp.zeros((1, 1), jnp.int32)

    def body(i, _):
        d = dists_ref[:]
        mx = jnp.max(d)
        cand = jnp.where(d == mx, flat, jnp.int32(2**30))
        nxt = jnp.min(cand)
        r = nxt // cols
        c = nxt - r * cols
        cmask = lax.broadcasted_iota(jnp.int32, (1, cols), 1) == c
        pxv = jnp.sum(jnp.where(cmask, px_ref[pl.ds(r, 1), :], 0.0))
        pyv = jnp.sum(jnp.where(cmask, py_ref[pl.ds(r, 1), :], 0.0))
        pzv = jnp.sum(jnp.where(cmask, pz_ref[pl.ds(r, 1), :], 0.0))
        dn = (px - pxv) ** 2 + (py - pyv) ** 2 + (pz - pzv) ** 2
        dists_ref[:] = jnp.minimum(d, dn)
        idx_ref[pl.ds(i, 1), :] = nxt.reshape(1, 1)
        return 0

    lax.fori_loop(1, m, body, 0)


def _fps(pos, m, interpret=False):
    n = pos.shape[0]
    rows = n // 128
    px = pos[:, 0].reshape(rows, 128)
    py = pos[:, 1].reshape(rows, 128)
    pz = pos[:, 2].reshape(rows, 128)
    idx = pl.pallas_call(
        functools.partial(_fps_body, m=m),
        out_shape=jax.ShapeDtypeStruct((m, 1), jnp.int32),
        scratch_shapes=[pltpu.VMEM((rows, 128), jnp.float32),
                        pltpu.VMEM((rows, 1), jnp.float32)],
        interpret=interpret,
    )(px, py, pz)
    return idx.reshape(m)



def _feat_body(p_ref, q_ref, w_ref, b_ref, a_ref, c_ref):
    w = _b16(w_ref[:])
    a_ref[:] = jnp.dot(_b16(p_ref[:]), w,
                       preferred_element_type=jnp.float32) + b_ref[:]
    c_ref[:] = jnp.dot(_b16(q_ref[:]), w, preferred_element_type=jnp.float32)


def _features(x, pos, pos_c, W1, b1, interpret=False):
    n = x.shape[0]
    m = pos_c.shape[0]
    dh = W1.shape[1]
    p = jnp.concatenate([x, pos, jnp.zeros((n, 128 - 9), jnp.float32)], axis=1)
    q = jnp.concatenate(
        [jnp.zeros((m, 6), jnp.float32), pos_c, jnp.zeros((m, 128 - 9), jnp.float32)],
        axis=1)
    w = jnp.concatenate([W1, jnp.zeros((128 - 9, dh), jnp.float32)], axis=0)
    bn = 1024
    bm = bn * m // n
    grid = n // bn
    return pl.pallas_call(
        _feat_body,
        grid=(grid,),
        in_specs=[
            pl.BlockSpec((bn, 128), lambda g: (g, 0)),
            pl.BlockSpec((bm, 128), lambda g: (g, 0)),
            pl.BlockSpec((128, dh), lambda g: (0, 0)),
            pl.BlockSpec((1, dh), lambda g: (0, 0)),
        ],
        out_specs=(pl.BlockSpec((bn, dh), lambda g: (g, 0)),
                   pl.BlockSpec((bm, dh), lambda g: (g, 0))),
        out_shape=(jax.ShapeDtypeStruct((n, dh), jnp.float32),
                   jax.ShapeDtypeStruct((m, dh), jnp.float32)),
        interpret=interpret,
    )(p, q, w, b1.reshape(1, dh))



def _select_body(cx_ref, cy_ref, cz_ref, px_ref, py_ref, pz_ref,
                 nbrt_ref, cnt_ref, d2_ref, *, n):
    bm = cx_ref.shape[0]
    cx = cx_ref[:]
    cy = cy_ref[:]
    cz = cz_ref[:]
    px = px_ref[:]
    py = py_ref[:]
    pz = pz_ref[:]
    sc = (cx * cx + cy * cy) + cz * cz
    sp = (px * px + py * py) + pz * pz
    dot = (_b16(cx) * _b16(px) + _b16(cy) * _b16(py)) + _b16(cz) * _b16(pz)
    d2_ref[:] = jnp.maximum((sc + sp) - 2.0 * dot, 0.0)
    colv = lax.broadcasted_iota(jnp.int32, (bm, n), 1)
    big = jnp.float32(3e38)

    def body(k, cnt):
        d2 = d2_ref[:]
        v = jnp.min(d2, axis=1, keepdims=True)
        j = jnp.min(jnp.where(d2 == v, colv, jnp.int32(2**30)), axis=1,
                    keepdims=True)
        nbrt_ref[0:1, pl.ds(k, 1), :] = j.reshape(1, 1, bm)
        d2_ref[:] = jnp.where(colv == j, big, d2)
        return cnt + jnp.where(v <= _R2, 1, 0).astype(jnp.int32)

    cnt_ref[:] = lax.fori_loop(0, _K, body, jnp.zeros((bm, 1), jnp.int32))


def _select(pos_c, pos, interpret=False):
    m = pos_c.shape[0]
    n = pos.shape[0]
    bm = 8
    grid = m // bm
    kern = pl.pallas_call(
        functools.partial(_select_body, n=n),
        grid=(grid,),
        in_specs=[
            pl.BlockSpec((bm, 1), lambda g: (g, 0)),
            pl.BlockSpec((bm, 1), lambda g: (g, 0)),
            pl.BlockSpec((bm, 1), lambda g: (g, 0)),
            pl.BlockSpec((1, n), lambda g: (0, 0)),
            pl.BlockSpec((1, n), lambda g: (0, 0)),
            pl.BlockSpec((1, n), lambda g: (0, 0)),
        ],
        out_specs=(pl.BlockSpec((1, _K, bm), lambda g: (g, 0, 0)),
                   pl.BlockSpec((bm, 1), lambda g: (g, 0))),
        out_shape=(jax.ShapeDtypeStruct((grid, _K, bm), jnp.int32),
                   jax.ShapeDtypeStruct((m, 1), jnp.int32)),
        scratch_shapes=[pltpu.VMEM((bm, n), jnp.float32)],
        interpret=interpret,
    )
    nbrt, cnt = kern(pos_c[:, 0:1], pos_c[:, 1:2], pos_c[:, 2:3],
                     pos[:, 0].reshape(1, n), pos[:, 1].reshape(1, n),
                     pos[:, 2].reshape(1, n))
    return jnp.transpose(nbrt, (0, 2, 1)).reshape(m, _K), cnt



_NC = 2
_NSUB = 16
_NW = _NC * _NSUB
_LN = 16
_SCK = 256


def _wid():
    return lax.axis_index("s") * _NC + lax.axis_index("c")


def _b16i(v):
    u = plsc.bitcast(v, jnp.uint32)
    bias = ((u >> 16) & jnp.uint32(1)) + jnp.uint32(0x7FFF)
    u2 = (u + bias) & jnp.uint32(0xFFFF0000)
    return plsc.bitcast(u2, jnp.float32)


def _splat(ref, i):
    base = (i // _LN) * _LN
    v = ref[pl.ds(base, _LN)]
    lanes = lax.iota(jnp.int32, _LN)
    s = jnp.sum(jnp.where(lanes == i - base, v, jnp.zeros_like(v)))
    return jnp.full((_LN,), s)


def _store1(ref, i, v, dtype):
    base = (i // _LN) * _LN
    lanes = lax.iota(jnp.int32, _LN)
    old = ref[pl.ds(base, _LN)]
    ref[pl.ds(base, _LN)] = jnp.where(lanes == i - base,
                                      jnp.full((_LN,), v, dtype), old)


def _sc_select_body(cx_hbm, cy_hbm, cz_hbm, px_hbm, py_hbm, pz_hbm,
                    nbr_hbm, cnt_hbm,
                    pxv, pyv, pzv, spv, d2v, sv, nbrv, cntv, cxv, cyv, czv,
                    *, n, rpw):
    base_r = _wid() * rpw
    pltpu.sync_copy(px_hbm, pxv)
    pltpu.sync_copy(py_hbm, pyv)
    pltpu.sync_copy(pz_hbm, pzv)
    pltpu.sync_copy(cx_hbm.at[pl.ds(base_r, rpw)], cxv)
    pltpu.sync_copy(cy_hbm.at[pl.ds(base_r, rpw)], cyv)
    pltpu.sync_copy(cz_hbm.at[pl.ds(base_r, rpw)], czv)
    lanes = lax.iota(jnp.int32, _LN)
    nsc = n // _SCK
    bigf = jnp.float32(3e38)
    bigi = jnp.int32(2**30)

    def pre_body(t, _):
        off = t * _LN
        x = pxv[pl.ds(off, _LN)]
        y = pyv[pl.ds(off, _LN)]
        z = pzv[pl.ds(off, _LN)]
        spv[pl.ds(off, _LN)] = (x * x + y * y) + z * z
        pxv[pl.ds(off, _LN)] = _b16i(x)
        pyv[pl.ds(off, _LN)] = _b16i(y)
        pzv[pl.ds(off, _LN)] = _b16i(z)
        return 0
    lax.fori_loop(0, n // _LN, pre_body, 0)

    def row_body(r, _):
        cx = _splat(cxv, r)
        cy = _splat(cyv, r)
        cz = _splat(czv, r)
        sc = (cx * cx + cy * cy) + cz * cz
        cxb = _b16i(cx)
        cyb = _b16i(cy)
        czb = _b16i(cz)

        def sc_body(s, _):
            def t_body(t, m):
                off = s * _SCK + t * _LN
                dot = ((cxb * pxv[pl.ds(off, _LN)] + cyb * pyv[pl.ds(off, _LN)])
                       + czb * pzv[pl.ds(off, _LN)])
                d2 = jnp.maximum((sc + spv[pl.ds(off, _LN)]) - 2.0 * dot, 0.0)
                d2v[pl.ds(off, _LN)] = d2
                return jnp.minimum(m, d2)
            m = lax.fori_loop(0, _SCK // _LN, t_body,
                              jnp.full((_LN,), bigf, jnp.float32))
            _store1(sv, s, jnp.min(m), jnp.float32)
            return 0
        lax.fori_loop(0, nsc, sc_body, 0)

        nvs = nsc // _LN

        def k_body(k, cnt):
            svs = [sv[pl.ds(v * _LN, _LN)] for v in range(nvs)]
            m = svs[0]
            for v in range(1, nvs):
                m = jnp.minimum(m, svs[v])
            s_star = jnp.min(m)
            ssv = jnp.full((_LN,), s_star, jnp.float32)
            cand = jnp.full((_LN,), bigi, jnp.int32)
            for v in range(nvs):
                cand = jnp.minimum(
                    cand, jnp.where(svs[v] == ssv, lanes + v * _LN, bigi))
            sc_star = jnp.min(cand)
            base = sc_star * _SCK

            def f_body(t, cand):
                d2 = d2v[pl.ds(base + t * _LN, _LN)]
                return jnp.minimum(
                    cand, jnp.where(d2 == ssv, t * _LN + lanes, bigi))
            off_star = jnp.min(lax.fori_loop(
                0, _SCK // _LN, f_body, jnp.full((_LN,), bigi, jnp.int32)))
            j_star = base + off_star
            _store1(d2v, j_star, bigf, jnp.float32)

            def g_body(t, m):
                return jnp.minimum(m, d2v[pl.ds(base + t * _LN, _LN)])
            s_new = jnp.min(lax.fori_loop(
                0, _SCK // _LN, g_body, jnp.full((_LN,), bigf, jnp.float32)))
            _store1(sv, sc_star, s_new, jnp.float32)
            _store1(nbrv, r * _K + k, j_star, jnp.int32)
            return cnt + jnp.where(s_star <= _R2, 1, 0).astype(jnp.int32)

        cnt = lax.fori_loop(0, _K, k_body, jnp.int32(0))
        _store1(cntv, r, cnt, jnp.int32)
        return 0

    lax.fori_loop(0, rpw, row_body, 0)
    pltpu.sync_copy(nbrv, nbr_hbm.at[pl.ds(base_r * _K, rpw * _K)])
    pltpu.sync_copy(cntv, cnt_hbm.at[pl.ds(base_r, rpw)])


def _sc_select(pos_c, pos):
    m = pos_c.shape[0]
    n = pos.shape[0]
    rpw = m // _NW
    mesh = plsc.VectorSubcoreMesh(core_axis_name="c", subcore_axis_name="s", num_cores=_NC, num_subcores=_NSUB)
    kern = pl.kernel(
        functools.partial(_sc_select_body, n=n, rpw=rpw),
        out_type=(jax.ShapeDtypeStruct((m * _K,), jnp.int32),
                  jax.ShapeDtypeStruct((m,), jnp.int32)),
        mesh=mesh,
        compiler_params=pltpu.CompilerParams(needs_layout_passes=False),
        scratch_types=[
            pltpu.VMEM((n,), jnp.float32),
            pltpu.VMEM((n,), jnp.float32),
            pltpu.VMEM((n,), jnp.float32),
            pltpu.VMEM((n,), jnp.float32),
            pltpu.VMEM((n,), jnp.float32),
            pltpu.VMEM((n // _SCK,), jnp.float32),
            pltpu.VMEM((rpw * _K,), jnp.int32),
            pltpu.VMEM((rpw,), jnp.int32),
            pltpu.VMEM((rpw,), jnp.float32),
            pltpu.VMEM((rpw,), jnp.float32),
            pltpu.VMEM((rpw,), jnp.float32),
        ],
    )
    nbr, cnt = kern(pos_c[:, 0].ravel(), pos_c[:, 1].ravel(),
                    pos_c[:, 2].ravel(),
                    pos[:, 0].ravel(), pos[:, 1].ravel(), pos[:, 2].ravel())
    return nbr.reshape(m, _K), cnt.reshape(m, 1)



def _sc_gather_body(a_hbm, idx_hbm, out_hbm, idxv, rowsv, sem, *, bpw, ck):
    base = _wid() * bpw
    pltpu.sync_copy(idx_hbm.at[pl.ds(base, bpw)], idxv)

    def c_body(i, _):
        off = i * ck
        pltpu.async_copy(a_hbm.at[idxv.at[pl.ds(off, ck)]], rowsv, sem).wait()
        pltpu.sync_copy(rowsv, out_hbm.at[pl.ds(base + off, ck)])
        return 0
    lax.fori_loop(0, bpw // ck, c_body, 0)


def _sc_gather(a, idx):
    b = idx.shape[0]
    d = a.shape[1]
    bpw = b // _NW
    ck = 128
    mesh = plsc.VectorSubcoreMesh(core_axis_name="c", subcore_axis_name="s", num_cores=_NC, num_subcores=_NSUB)
    kern = pl.kernel(
        functools.partial(_sc_gather_body, bpw=bpw, ck=ck),
        out_type=jax.ShapeDtypeStruct((b, d), jnp.float32),
        mesh=mesh,
        compiler_params=pltpu.CompilerParams(needs_layout_passes=False,
                                             use_tc_tiling_on_sc=False),
        scratch_types=[
            pltpu.VMEM((bpw,), jnp.int32),
            pltpu.VMEM((ck, d), jnp.float32),
            pltpu.SemaphoreType.DMA,
        ],
    )
    return kern(a, idx)



def _conv_body(g_ref, c_ref, cnt_ref, w2_ref, b2_ref, out_ref):
    bm = c_ref.shape[0]
    dh = c_ref.shape[1]
    do = w2_ref.shape[1]
    g = g_ref[:].reshape(bm, _K, dh)
    h1 = jnp.maximum(g - c_ref[:][:, None, :], 0.0)
    h2 = jnp.dot(_b16(h1.reshape(bm * _K, dh)), _b16(w2_ref[:]),
                 preferred_element_type=jnp.float32) + b2_ref[:]
    h2 = jnp.maximum(h2, 0.0)
    rowio = lax.broadcasted_iota(jnp.int32, (bm * _K, 1), 0)
    slot = rowio - _K * (rowio // _K)
    pen = jnp.where(slot < cnt_ref[:], 0.0, -jnp.float32(3e38))
    h2 = h2 + pen
    out_ref[:] = jnp.max(h2.reshape(bm, _K, do), axis=1)


def _conv(g, c, cnt, W2, b2, interpret=False):
    m, dh = c.shape
    do = W2.shape[1]
    bm = 32
    grid = m // bm
    return pl.pallas_call(
        _conv_body,
        grid=(grid,),
        in_specs=[
            pl.BlockSpec((bm * _K, dh), lambda g: (g, 0)),
            pl.BlockSpec((bm, dh), lambda g: (g, 0)),
            pl.BlockSpec((bm * _K, 1), lambda g: (g, 0)),
            pl.BlockSpec((dh, do), lambda g: (0, 0)),
            pl.BlockSpec((1, do), lambda g: (0, 0)),
        ],
        out_specs=pl.BlockSpec((bm, do), lambda g: (g, 0)),
        out_shape=jax.ShapeDtypeStruct((m, do), jnp.float32),
        interpret=interpret,
    )(g, c, jnp.repeat(cnt, _K, axis=0), W2, b2.reshape(1, do))



def _run(x, pos, batch, W1, b1, W2, b2, interpret=False):
    n = x.shape[0]
    m = int(n * _RATIO)
    idx = _fps(pos, m, interpret=interpret)
    pos_c = jnp.take(pos, idx, axis=0)
    a, c = _features(x, pos, pos_c, W1, b1, interpret=interpret)
    if interpret:
        nbr, cnt = _select(pos_c, pos, interpret=True)
        g = jnp.take(a, nbr.reshape(-1), axis=0)
    else:
        nbr, cnt = _sc_select(pos_c, pos)
        g = _sc_gather(a, nbr.reshape(-1))
    out = _conv(g, c, cnt, W2, b2, interpret=interpret)
    return (out, pos_c, jnp.take(batch, idx))


def kernel(x, pos, batch, W1, b1, W2, b2):
    return _run(x, pos, batch, W1, b1, W2, b2, interpret=False)

# --- scband reference (transcript-rebuilt; emitter-appended) ---
"""Pipeline reference for scband-samodule-51762945851724 (READ-ONLY COPY).

The authoritative reference and input builder live on the scoring server;
editing this copy changes nothing except your own understanding.
"""

import jax, jax.numpy as jnp
import numpy as np
from jax import lax

RATIO = 0.25
R = 0.2
MAX_NEIGHBORS = 64

def setup_inputs(seed: int = 0):
    key = jax.random.key(seed)
    k1, k2, k3, k4 = jax.random.split(key, 4)
    N = 16384
    x = jax.random.uniform(k1, (N, 6), dtype=jnp.float32)
    pos = jax.random.uniform(k2, (N, 3), dtype=jnp.float32)
    batch = jnp.zeros((N,), dtype=jnp.int32)
    # local_nn params: MLP [9 -> 64 -> 128]
    W1 = jax.random.normal(k3, (9, 64), dtype=jnp.float32) * 0.1
    b1 = jnp.zeros((64,), dtype=jnp.float32)
    W2 = jax.random.normal(k4, (64, 128), dtype=jnp.float32) * 0.1
    b2 = jnp.zeros((128,), dtype=jnp.float32)
    return {"x": x, "pos": pos, "batch": batch, "W1": W1, "b1": b1, "W2": W2, "b2": b2}

def fps(pos, m):
    # farthest point sampling (deterministic start at index 0)
    pos = lax.stop_gradient(pos)
    idxs = jnp.zeros((m,), dtype=jnp.int32)
    d0 = jnp.sum((pos - pos[0]) ** 2, axis=1)
    def body(i, state):
        dists, idxs = state
        nxt = jnp.argmax(dists).astype(jnp.int32)
        idxs = idxs.at[i].set(nxt)
        d = jnp.sum((pos - pos[nxt]) ** 2, axis=1)
        dists = jnp.minimum(dists, d)
        return (dists, idxs)
    dists, idxs = lax.fori_loop(1, m, body, (d0, idxs))
    return idxs

def reference(x, pos, batch, W1, b1, W2, b2):
    N = x.shape[0]
    m = int(N * RATIO)
    idx = fps(pos, m)
    pos_c = pos[idx]                      # [m, 3]
    # pairwise squared distances centroids -> all points, [m, N]
    d2 = (jnp.sum(pos_c ** 2, axis=1)[:, None]
          + jnp.sum(pos ** 2, axis=1)[None, :]
          - 2.0 * (pos_c @ pos.T))
    d2 = jnp.maximum(d2, 0.0)
    mask = d2 <= (R * R)
    score = jnp.where(mask, -d2, -1e10)
    vals, nbr = lax.top_k(score, MAX_NEIGHBORS)   # nearest <=64 within radius
    valid = vals > -1e9                            # [m, 64]
    # PointNetConv message: nn(concat([x_j, pos_j - pos_i]))
    x_j = x[nbr]                                   # [m, 64, 6]
    rel = pos[nbr] - pos_c[:, None, :]             # [m, 64, 3]
    feat = jnp.concatenate([x_j, rel], axis=-1)    # [m, 64, 9]
    h = jax.nn.relu(feat @ W1 + b1)
    h = jax.nn.relu(h @ W2 + b2)                   # [m, 64, 128]
    # max aggregation over valid neighbors (self always within radius)
    h = jnp.where(valid[..., None], h, -jnp.inf)
    out = jnp.max(h, axis=1)
    out = jnp.where(jnp.any(valid, axis=1)[:, None], out, 0.0)
    return (out, pos_c, batch[idx])

if __name__ == "__main__":
    import jax
    _d = setup_inputs()
    print(jax.jit(kernel)(*tuple(_d.values())))

</pallas_src>

<mosaic_0001>
#map = affine_map<(d0, d1) -> (0, 0)>
#map1 = affine_map<(d0, d1) -> (0)>
module attributes {stable_mosaic.version = 14 : i64} {
  func.func @_sc_gather_body(%arg0: i32, %arg1: i32, %arg2: memref<16384x64xf32, #tpu.memory_space<hbm>>, %arg3: memref<262144xi32, #tpu.memory_space<hbm>>, %arg4: memref<262144x64xf32, #tpu.memory_space<hbm>>, %arg5: memref<8192xi32, #tpu.memory_space<vmem>>, %arg6: memref<128x64xf32, #tpu.memory_space<vmem>>, %arg7: memref<!tpu.dma_semaphore, #tpu.memory_space<semaphore_mem>>) attributes {dimension_semantics = [#tpu.dimension_semantics<core_parallel>, #tpu.dimension_semantics<subcore_parallel>], iteration_bounds = array<i64: 2, 16>, scalar_prefetch = 0 : i64, scratch_operands = 3 : i64, tpu.core_type = #tpu.core_type<sc_vector_subcore>, window_params = [{transform_indices = #map}, {transform_indices = #map1}, {transform_indices = #map}]} {
    %mul3A = arith.constant 2 : i32
    %mul3A_0 = arith.muli %arg1, %mul3A : i32
    %add3A = arith.addi %mul3A_0, %arg0 : i32
    %mul3A_1 = arith.constant 8192 : i32
    %mul3A_2 = arith.muli %add3A, %mul3A_1 : i32
    "tpu.region"() ({
      %run_scoped3A = tpu.sem_alloc : memref<!tpu.dma_semaphore, #tpu.memory_space<semaphore_mem>>
      %dma_start3A = tpu.memref_slice %arg3[%mul3A_2] : memref<262144xi32, #tpu.memory_space<hbm>> -> memref<8192xi32, #tpu.memory_space<hbm>>
      %dma_start3A_9 = tpu.memref_slice %arg3[%mul3A_2] : memref<262144xi32, #tpu.memory_space<hbm>> -> memref<8192xi32, #tpu.memory_space<hbm>>
      tpu.enqueue_dma source(%dma_start3A_9 : memref<8192xi32, #tpu.memory_space<hbm>>) target(%arg5 : memref<8192xi32, #tpu.memory_space<vmem>>) target_semaphore(%run_scoped3A : memref<!tpu.dma_semaphore, #tpu.memory_space<semaphore_mem>>)
      %dma_wait3A = tpu.memref_slice %arg3[%mul3A_2] : memref<262144xi32, #tpu.memory_space<hbm>> -> memref<8192xi32, #tpu.memory_space<hbm>>
      %dma_wait3A_10 = tpu.memref_slice %arg3[%mul3A_2] : memref<262144xi32, #tpu.memory_space<hbm>> -> memref<8192xi32, #tpu.memory_space<hbm>>
      tpu.wait_dma2 semaphore(%run_scoped3A : memref<!tpu.dma_semaphore, #tpu.memory_space<semaphore_mem>>) src(%dma_wait3A_10 : memref<8192xi32, #tpu.memory_space<hbm>>) dst(%arg5 : memref<8192xi32, #tpu.memory_space<vmem>>)
      tpu.yield
    }) : () -> ()
    %scan3A = arith.constant 0 : i32
    %scan3A_3 = arith.constant 0 : i32
    %scan3A_4 = arith.constant 64 : i32
    %scan3A_5 = arith.addi %scan3A_3, %scan3A_4 : i32
    %scan3A_6 = arith.constant 1 : i32
    %scan3A_7 = scf.for %scan3A_9 = %scan3A_3 to %scan3A_5 step %scan3A_6 iter_args(%scan3A_10 = %scan3A) -> (i32)  : i32 {
      %mul3A_11 = arith.constant 128 : i32
      %mul3A_12 = arith.muli %scan3A_9, %mul3A_11 : i32
      %dma_start3A = tpu.memref_slice %arg5[%mul3A_12] : memref<8192xi32, #tpu.memory_space<vmem>> -> memref<128xi32, #tpu.memory_space<vmem>>
      %dma_start3A_13 = arith.constant 0 : i32
      %dma_start3A_14 = arith.constant 0 : i32
      %dma_start3A_15 = tpu.memref_slice %arg2[%dma_start3A_13, %dma_start3A_14] : memref<16384x64xf32, #tpu.memory_space<hbm>> -> memref<16384x64xf32, #tpu.memory_space<hbm>>
      tpu.enqueue_indirect_dma source(%dma_start3A_15 : memref<16384x64xf32, #tpu.memory_space<hbm>>) target(%arg6 : memref<128x64xf32, #tpu.memory_space<vmem>>) offsets(%dma_start3A : memref<128xi32, #tpu.memory_space<vmem>>) semaphore(%arg7 : memref<!tpu.dma_semaphore, #tpu.memory_space<semaphore_mem>>)
      %dma_wait3A = tpu.memref_slice %arg5[%mul3A_12] : memref<8192xi32, #tpu.memory_space<vmem>> -> memref<128xi32, #tpu.memory_space<vmem>>
      %dma_wait3A_16 = arith.constant 0 : i32
      %dma_wait3A_17 = arith.constant 0 : i32
      %dma_wait3A_18 = tpu.memref_slice %arg2[%dma_wait3A_16, %dma_wait3A_17] : memref<16384x64xf32, #tpu.memory_space<hbm>> -> memref<16384x64xf32, #tpu.memory_space<hbm>>
      tpu.wait_indirect_dma semaphore(%arg7 : memref<!tpu.dma_semaphore, #tpu.memory_space<semaphore_mem>>) src(%dma_wait3A_18 : memref<16384x64xf32, #tpu.memory_space<hbm>>) dst(%arg6 : memref<128x64xf32, #tpu.memory_space<vmem>>)
      %add3A_19 = arith.addi %mul3A_2, %mul3A_12 : i32
      "tpu.region"() ({
        %run_scoped3A = tpu.sem_alloc : memref<!tpu.dma_semaphore, #tpu.memory_space<semaphore_mem>>
        %dma_start3A_21 = arith.constant 0 : i32
        %dma_start3A_22 = tpu.memref_slice %arg4[%add3A_19, %dma_start3A_21] : memref<262144x64xf32, #tpu.memory_space<hbm>> -> memref<128x64xf32, #tpu.memory_space<hbm>>
        %dma_start3A_23 = arith.constant 0 : i32
        %dma_start3A_24 = tpu.memref_slice %arg4[%add3A_19, %dma_start3A_23] : memref<262144x64xf32, #tpu.memory_space<hbm>> -> memref<128x64xf32, #tpu.memory_space<hbm>>
        tpu.enqueue_dma source(%arg6 : memref<128x64xf32, #tpu.memory_space<vmem>>) target(%dma_start3A_24 : memref<128x64xf32, #tpu.memory_space<hbm>>) target_semaphore(%run_scoped3A : memref<!tpu.dma_semaphore, #tpu.memory_space<semaphore_mem>>)
        %dma_wait3A_25 = arith.constant 0 : i32
        %dma_wait3A_26 = tpu.memref_slice %arg4[%add3A_19, %dma_wait3A_25] : memref<262144x64xf32, #tpu.memory_space<hbm>> -> memref<128x64xf32, #tpu.memory_space<hbm>>
        %dma_wait3A_27 = arith.constant 0 : i32
        %dma_wait3A_28 = tpu.memref_slice %arg4[%add3A_19, %dma_wait3A_27] : memref<262144x64xf32, #tpu.memory_space<hbm>> -> memref<128x64xf32, #tpu.memory_space<hbm>>
        tpu.wait_dma2 semaphore(%run_scoped3A : memref<!tpu.dma_semaphore, #tpu.memory_space<semaphore_mem>>) src(%arg6 : memref<128x64xf32, #tpu.memory_space<vmem>>) dst(%dma_wait3A_28 : memref<128x64xf32, #tpu.memory_space<hbm>>)
        tpu.yield
      }) : () -> ()
      %scan3A_20 = arith.constant 0 : i32
      scf.yield %scan3A_20 : i32
    }
    %scan3A_8 = arith.constant 64 : i32
    return
  }
}

#map = affine_map<(d0, d1) -> (0)>
module attributes {stable_mosaic.version = 14 : i64} {
  func.func @_sc_select_body(%arg0: i32, %arg1: i32, %arg2: memref<4096xf32, #tpu.memory_space<hbm>>, %arg3: memref<4096xf32, #tpu.memory_space<hbm>>, %arg4: memref<4096xf32, #tpu.memory_space<hbm>>, %arg5: memref<16384xf32, #tpu.memory_space<hbm>>, %arg6: memref<16384xf32, #tpu.memory_space<hbm>>, %arg7: memref<16384xf32, #tpu.memory_space<hbm>>, %arg8: memref<262144xi32, #tpu.memory_space<hbm>>, %arg9: memref<4096xi32, #tpu.memory_space<hbm>>, %arg10: memref<16384xf32, #tpu.memory_space<vmem>>, %arg11: memref<16384xf32, #tpu.memory_space<vmem>>, %arg12: memref<16384xf32, #tpu.memory_space<vmem>>, %arg13: memref<16384xf32, #tpu.memory_space<vmem>>, %arg14: memref<16384xf32, #tpu.memory_space<vmem>>, %arg15: memref<64xf32, #tpu.memory_space<vmem>>, %arg16: memref<8192xi32, #tpu.memory_space<vmem>>, %arg17: memref<128xi32, #tpu.memory_space<vmem>>, %arg18: memref<128xf32, #tpu.memory_space<vmem>>, %arg19: memref<128xf32, #tpu.memory_space<vmem>>, %arg20: memref<128xf32, #tpu.memory_space<vmem>>) attributes {dimension_semantics = [#tpu.dimension_semantics<core_parallel>, #tpu.dimension_semantics<subcore_parallel>], iteration_bounds = array<i64: 2, 16>, scalar_prefetch = 0 : i64, scratch_operands = 11 : i64, tpu.core_type = #tpu.core_type<sc_vector_subcore>, window_params = [{transform_indices = #map}, {transform_indices = #map}, {transform_indices = #map}, {transform_indices = #map}, {transform_indices = #map}, {transform_indices = #map}, {transform_indices = #map}, {transform_indices = #map}]} {
    %mul3A = arith.constant 2 : i32
    %mul3A_0 = arith.muli %arg1, %mul3A : i32
    %add3A = arith.addi %mul3A_0, %arg0 : i32
    %mul3A_1 = arith.constant 128 : i32
    %mul3A_2 = arith.muli %add3A, %mul3A_1 : i32
    "tpu.region"() ({
      %run_scoped3A = tpu.sem_alloc : memref<!tpu.dma_semaphore, #tpu.memory_space<semaphore_mem>>
      tpu.enqueue_dma source(%arg5 : memref<16384xf32, #tpu.memory_space<hbm>>) target(%arg10 : memref<16384xf32, #tpu.memory_space<vmem>>) target_semaphore(%run_scoped3A : memref<!tpu.dma_semaphore, #tpu.memory_space<semaphore_mem>>)
      tpu.wait_dma2 semaphore(%run_scoped3A : memref<!tpu.dma_semaphore, #tpu.memory_space<semaphore_mem>>) src(%arg5 : memref<16384xf32, #tpu.memory_space<hbm>>) dst(%arg10 : memref<16384xf32, #tpu.memory_space<vmem>>)
      tpu.yield
    }) : () -> ()
    "tpu.region"() ({
      %run_scoped3A = tpu.sem_alloc : memref<!tpu.dma_semaphore, #tpu.memory_space<semaphore_mem>>
      tpu.enqueue_dma source(%arg6 : memref<16384xf32, #tpu.memory_space<hbm>>) target(%arg11 : memref<16384xf32, #tpu.memory_space<vmem>>) target_semaphore(%run_scoped3A : memref<!tpu.dma_semaphore, #tpu.memory_space<semaphore_mem>>)
      tpu.wait_dma2 semaphore(%run_scoped3A : memref<!tpu.dma_semaphore, #tpu.memory_space<semaphore_mem>>) src(%arg6 : memref<16384xf32, #tpu.memory_space<hbm>>) dst(%arg11 : memref<16384xf32, #tpu.memory_space<vmem>>)
      tpu.yield
    }) : () -> ()
    "tpu.region"() ({
      %run_scoped3A = tpu.sem_alloc : memref<!tpu.dma_semaphore, #tpu.memory_space<semaphore_mem>>
      tpu.enqueue_dma source(%arg7 : memref<16384xf32, #tpu.memory_space<hbm>>) target(%arg12 : memref<16384xf32, #tpu.memory_space<vmem>>) target_semaphore(%run_scoped3A : memref<!tpu.dma_semaphore, #tpu.memory_space<semaphore_mem>>)
      tpu.wait_dma2 semaphore(%run_scoped3A : memref<!tpu.dma_semaphore, #tpu.memory_space<semaphore_mem>>) src(%arg7 : memref<16384xf32, #tpu.memory_space<hbm>>) dst(%arg12 : memref<16384xf32, #tpu.memory_space<vmem>>)
      tpu.yield
    }) : () -> ()
    "tpu.region"() ({
      %run_scoped3A = tpu.sem_alloc : memref<!tpu.dma_semaphore, #tpu.memory_space<semaphore_mem>>
      %dma_start3A = tpu.memref_slice %arg2[%mul3A_2] : memref<4096xf32, #tpu.memory_space<hbm>> -> memref<128xf32, #tpu.memory_space<hbm>>
      %dma_start3A_20 = tpu.memref_slice %arg2[%mul3A_2] : memref<4096xf32, #tpu.memory_space<hbm>> -> memref<128xf32, #tpu.memory_space<hbm>>
      tpu.enqueue_dma source(%dma_start3A_20 : memref<128xf32, #tpu.memory_space<hbm>>) target(%arg18 : memref<128xf32, #tpu.memory_space<vmem>>) target_semaphore(%run_scoped3A : memref<!tpu.dma_semaphore, #tpu.memory_space<semaphore_mem>>)
      %dma_wait3A = tpu.memref_slice %arg2[%mul3A_2] : memref<4096xf32, #tpu.memory_space<hbm>> -> memref<128xf32, #tpu.memory_space<hbm>>
      %dma_wait3A_21 = tpu.memref_slice %arg2[%mul3A_2] : memref<4096xf32, #tpu.memory_space<hbm>> -> memref<128xf32, #tpu.memory_space<hbm>>
      tpu.wait_dma2 semaphore(%run_scoped3A : memref<!tpu.dma_semaphore, #tpu.memory_space<semaphore_mem>>) src(%dma_wait3A_21 : memref<128xf32, #tpu.memory_space<hbm>>) dst(%arg18 : memref<128xf32, #tpu.memory_space<vmem>>)
      tpu.yield
    }) : () -> ()
    "tpu.region"() ({
      %run_scoped3A = tpu.sem_alloc : memref<!tpu.dma_semaphore, #tpu.memory_space<semaphore_mem>>
      %dma_start3A = tpu.memref_slice %arg3[%mul3A_2] : memref<4096xf32, #tpu.memory_space<hbm>> -> memref<128xf32, #tpu.memory_space<hbm>>
      %dma_start3A_20 = tpu.memref_slice %arg3[%mul3A_2] : memref<4096xf32, #tpu.memory_space<hbm>> -> memref<128xf32, #tpu.memory_space<hbm>>
      tpu.enqueue_dma source(%dma_start3A_20 : memref<128xf32, #tpu.memory_space<hbm>>) target(%arg19 : memref<128xf32, #tpu.memory_space<vmem>>) target_semaphore(%run_scoped3A : memref<!tpu.dma_semaphore, #tpu.memory_space<semaphore_mem>>)
      %dma_wait3A = tpu.memref_slice %arg3[%mul3A_2] : memref<4096xf32, #tpu.memory_space<hbm>> -> memref<128xf32, #tpu.memory_space<hbm>>
      %dma_wait3A_21 = tpu.memref_slice %arg3[%mul3A_2] : memref<4096xf32, #tpu.memory_space<hbm>> -> memref<128xf32, #tpu.memory_space<hbm>>
      tpu.wait_dma2 semaphore(%run_scoped3A : memref<!tpu.dma_semaphore, #tpu.memory_space<semaphore_mem>>) src(%dma_wait3A_21 : memref<128xf32, #tpu.memory_space<hbm>>) dst(%arg19 : memref<128xf32, #tpu.memory_space<vmem>>)
      tpu.yield
    }) : () -> ()
    "tpu.region"() ({
      %run_scoped3A = tpu.sem_alloc : memref<!tpu.dma_semaphore, #tpu.memory_space<semaphore_mem>>
      %dma_start3A = tpu.memref_slice %arg4[%mul3A_2] : memref<4096xf32, #tpu.memory_space<hbm>> -> memref<128xf32, #tpu.memory_space<hbm>>
      %dma_start3A_20 = tpu.memref_slice %arg4[%mul3A_2] : memref<4096xf32, #tpu.memory_space<hbm>> -> memref<128xf32, #tpu.memory_space<hbm>>
      tpu.enqueue_dma source(%dma_start3A_20 : memref<128xf32, #tpu.memory_space<hbm>>) target(%arg20 : memref<128xf32, #tpu.memory_space<vmem>>) target_semaphore(%run_scoped3A : memref<!tpu.dma_semaphore, #tpu.memory_space<semaphore_mem>>)
      %dma_wait3A = tpu.memref_slice %arg4[%mul3A_2] : memref<4096xf32, #tpu.memory_space<hbm>> -> memref<128xf32, #tpu.memory_space<hbm>>
      %dma_wait3A_21 = tpu.memref_slice %arg4[%mul3A_2] : memref<4096xf32, #tpu.memory_space<hbm>> -> memref<128xf32, #tpu.memory_space<hbm>>
      tpu.wait_dma2 semaphore(%run_scoped3A : memref<!tpu.dma_semaphore, #tpu.memory_space<semaphore_mem>>) src(%dma_wait3A_21 : memref<128xf32, #tpu.memory_space<hbm>>) dst(%arg20 : memref<128xf32, #tpu.memory_space<vmem>>)
      tpu.yield
    }) : () -> ()
    %iota3A = tpu.iota {dimensions = array<i32: 0>} : vector<16xi32>
    %scan3A = arith.constant 0 : i32
    %scan3A_3 = arith.constant 0 : i32
    %scan3A_4 = arith.constant 1024 : i32
    %scan3A_5 = arith.addi %scan3A_3, %scan3A_4 : i32
    %scan3A_6 = arith.constant 1 : i32
    %scan3A_7 = scf.for %scan3A_20 = %scan3A_3 to %scan3A_5 step %scan3A_6 iter_args(%scan3A_21 = %scan3A) -> (i32)  : i32 {
      %mul3A_22 = arith.constant 16 : i32
      %mul3A_23 = arith.muli %scan3A_20, %mul3A_22 : i32
      %get3A = arith.index_cast %mul3A_23 : i32 to index
      %get3A_24 = tpu.vector_load %arg10[%get3A] {strides = array<i32>} : memref<16384xf32, #tpu.memory_space<vmem>>, vector<16xf32>,
      %get3A_25 = arith.index_cast %mul3A_23 : i32 to index
      %get3A_26 = tpu.vector_load %arg11[%get3A_25] {strides = array<i32>} : memref<16384xf32, #tpu.memory_space<vmem>>, vector<16xf32>,
      %get3A_27 = arith.index_cast %mul3A_23 : i32 to index
      %get3A_28 = tpu.vector_load %arg12[%get3A_27] {strides = array<i32>} : memref<16384xf32, #tpu.memory_space<vmem>>, vector<16xf32>,
      %mul3A_29 = arith.mulf %get3A_24, %get3A_24 : vector<16xf32>
      %mul3A_30 = arith.mulf %get3A_26, %get3A_26 : vector<16xf32>
      %add3A_31 = arith.addf %mul3A_29, %mul3A_30 : vector<16xf32>
      %mul3A_32 = arith.mulf %get3A_28, %get3A_28 : vector<16xf32>
      %add3A_33 = arith.addf %add3A_31, %mul3A_32 : vector<16xf32>
      %swap3A = arith.index_cast %mul3A_23 : i32 to index
      %swap3A_34 = tpu.vector_load %arg13[%swap3A] {strides = array<i32>} : memref<16384xf32, #tpu.memory_space<vmem>>, vector<16xf32>,
      tpu.vector_store %arg13[%swap3A], %add3A_33 {strides = array<i32>} : memref<16384xf32, #tpu.memory_space<vmem>>, vector<16xf32>,
      %bitcast3A = vector.bitcast %get3A_24 : vector<16xf32> to vector<16xi32>
      %shift_right_logical3A = arith.constant 16 : i32
      %shift_right_logical3A_35 = vector.broadcast %shift_right_logical3A : i32 to vector<16xi32>
      %shift_right_logical3A_36 = arith.shrui %bitcast3A, %shift_right_logical3A_35 : vector<16xi32>
      %and3A = arith.constant 1 : i32
      %and3A_37 = vector.broadcast %and3A : i32 to vector<16xi32>
      %and3A_38 = arith.andi %shift_right_logical3A_36, %and3A_37 : vector<16xi32>
      %add3A_39 = arith.constant 32767 : i32
      %add3A_40 = vector.broadcast %add3A_39 : i32 to vector<16xi32>
      %add3A_41 = arith.addi %and3A_38, %add3A_40 : vector<16xi32>
      %add3A_42 = arith.addi %bitcast3A, %add3A_41 : vector<16xi32>
      %and3A_43 = arith.constant -65536 : i32
      %and3A_44 = vector.broadcast %and3A_43 : i32 to vector<16xi32>
      %and3A_45 = arith.andi %add3A_42, %and3A_44 : vector<16xi32>
      %bitcast3A_46 = vector.bitcast %and3A_45 : vector<16xi32> to vector<16xf32>
      %swap3A_47 = arith.index_cast %mul3A_23 : i32 to index
      %swap3A_48 = tpu.vector_load %arg10[%swap3A_47] {strides = array<i32>} : memref<16384xf32, #tpu.memory_space<vmem>>, vector<16xf32>,
      tpu.vector_store %arg10[%swap3A_47], %bitcast3A_46 {strides = array<i32>} : memref<16384xf32, #tpu.memory_space<vmem>>, vector<16xf32>,
      %bitcast3A_49 = vector.bitcast %get3A_26 : vector<16xf32> to vector<16xi32>
      %shift_right_logical3A_50 = arith.constant 16 : i32
      %shift_right_logical3A_51 = vector.broadcast %shift_right_logical3A_50 : i32 to vector<16xi32>
      %shift_right_logical3A_52 = arith.shrui %bitcast3A_49, %shift_right_logical3A_51 : vector<16xi32>
      %and3A_53 = arith.constant 1 : i32
      %and3A_54 = vector.broadcast %and3A_53 : i32 to vector<16xi32>
      %and3A_55 = arith.andi %shift_right_logical3A_52, %and3A_54 : vector<16xi32>
      %add3A_56 = arith.constant 32767 : i32
      %add3A_57 = vector.broadcast %add3A_56 : i32 to vector<16xi32>
      %add3A_58 = arith.addi %and3A_55, %add3A_57 : vector<16xi32>
      %add3A_59 = arith.addi %bitcast3A_49, %add3A_58 : vector<16xi32>
      %and3A_60 = arith.constant -65536 : i32
      %and3A_61 = vector.broadcast %and3A_60 : i32 to vector<16xi32>
      %and3A_62 = arith.andi %add3A_59, %and3A_61 : vector<16xi32>
      %bitcast3A_63 = vector.bitcast %and3A_62 : vector<16xi32> to vector<16xf32>
      %swap3A_64 = arith.index_cast %mul3A_23 : i32 to index
      %swap3A_65 = tpu.vector_load %arg11[%swap3A_64] {strides = array<i32>} : memref<16384xf32, #tpu.memory_space<vmem>>, vector<16xf32>,
      tpu.vector_store %arg11[%swap3A_64], %bitcast3A_63 {strides = array<i32>} : memref<16384xf32, #tpu.memory_space<vmem>>, vector<16xf32>,
      %bitcast3A_66 = vector.bitcast %get3A_28 : vector<16xf32> to vector<16xi32>
      %shift_right_logical3A_67 = arith.constant 16 : i32
      %shift_right_logical3A_68 = vector.broadcast %shift_right_logical3A_67 : i32 to vector<16xi32>
      %shift_right_logical3A_69 = arith.shrui %bitcast3A_66, %shift_right_logical3A_68 : vector<16xi32>
      %and3A_70 = arith.constant 1 : i32
      %and3A_71 = vector.broadcast %and3A_70 : i32 to vector<16xi32>
      %and3A_72 = arith.andi %shift_right_logical3A_69, %and3A_71 : vector<16xi32>
      %add3A_73 = arith.constant 32767 : i32
      %add3A_74 = vector.broadcast %add3A_73 : i32 to vector<16xi32>
      %add3A_75 = arith.addi %and3A_72, %add3A_74 : vector<16xi32>
      %add3A_76 = arith.addi %bitcast3A_66, %add3A_75 : vector<16xi32>
      %and3A_77 = arith.constant -65536 : i32
      %and3A_78 = vector.broadcast %and3A_77 : i32 to vector<16xi32>
      %and3A_79 = arith.andi %add3A_76, %and3A_78 : vector<16xi32>
      %bitcast3A_80 = vector.bitcast %and3A_79 : vector<16xi32> to vector<16xf32>
      %swap3A_81 = arith.index_cast %mul3A_23 : i32 to index
      %swap3A_82 = tpu.vector_load %arg12[%swap3A_81] {strides = array<i32>} : memref<16384xf32, #tpu.memory_space<vmem>>, vector<16xf32>,
      tpu.vector_store %arg12[%swap3A_81], %bitcast3A_80 {strides = array<i32>} : memref<16384xf32, #tpu.memory_space<vmem>>, vector<16xf32>,
      %scan3A_83 = arith.constant 0 : i32
      scf.yield %scan3A_83 : i32
    }
    %scan3A_8 = arith.constant 1024 : i32
    %scan3A_9 = arith.constant 3.000000e+38 : f32
    %scan3A_10 = arith.constant 1073741824 : i32
    %scan3A_11 = arith.constant 0 : i32
    %scan3A_12 = arith.constant 0 : i32
    %scan3A_13 = arith.constant 128 : i32
    %scan3A_14 = arith.addi %scan3A_12, %scan3A_13 : i32
    %scan3A_15 = arith.constant 1 : i32
    %scan3A_16 = scf.for %scan3A_20 = %scan3A_12 to %scan3A_14 step %scan3A_15 iter_args(%scan3A_21 = %scan3A_11) -> (i32)  : i32 {
      %jit3A = arith.constant 16 : i32
      %div3A = arith.divsi %scan3A_20, %jit3A : i32
      %sign3A = arith.constant 0 : i32
      %sign3A_22 = arith.cmpi sgt, %scan3A_20, %sign3A : i32
      %sign3A_23 = arith.extui %sign3A_22 : i1 to i32
      %sign3A_24 = arith.constant 0 : i32
      %sign3A_25 = arith.cmpi slt, %scan3A_20, %sign3A_24 : i32
      %sign3A_26 = arith.extui %sign3A_25 : i1 to i32
      %sign3A_27 = arith.subi %sign3A_23, %sign3A_26 : i32
      %sign3A_28 = arith.constant 0 : i32
      %sign3A_29 = arith.cmpi sgt, %jit3A, %sign3A_28 : i32
      %sign3A_30 = arith.extui %sign3A_29 : i1 to i32
      %sign3A_31 = arith.constant 0 : i32
      %sign3A_32 = arith.cmpi slt, %jit3A, %sign3A_31 : i32
      %sign3A_33 = arith.extui %sign3A_32 : i1 to i32
      %sign3A_34 = arith.subi %sign3A_30, %sign3A_33 : i32
      %ne3A = arith.cmpi ne, %sign3A_27, %sign3A_34 : i32
      %rem3A = arith.remsi %scan3A_20, %jit3A : i32
      %ne3A_35 = arith.constant 0 : i32
      %ne3A_36 = arith.cmpi ne, %rem3A, %ne3A_35 : i32
      %and3A = arith.andi %ne3A, %ne3A_36 : i1
      %sub3A = arith.constant 1 : i32
      %sub3A_37 = arith.subi %div3A, %sub3A : i32
      %select_n3A = arith.select %and3A, %sub3A_37, %div3A : i32
      %mul3A_38 = arith.constant 16 : i32
      %mul3A_39 = arith.muli %select_n3A, %mul3A_38 : i32
      %get3A = arith.index_cast %mul3A_39 : i32 to index
      %get3A_40 = tpu.vector_load %arg18[%get3A] {strides = array<i32>} : memref<128xf32, #tpu.memory_space<vmem>>, vector<16xf32>,
      %iota3A_41 = tpu.iota {dimensions = array<i32: 0>} : vector<16xi32>
      %sub3A_42 = arith.subi %scan3A_20, %mul3A_39 : i32
      %eq3A = vector.broadcast %sub3A_42 : i32 to vector<16xi32>
      %eq3A_43 = arith.cmpi eq, %iota3A_41, %eq3A : vector<16xi32>
      %broadcast_in_dim3A = arith.constant 0.000000e+00 : f32
      %broadcast_in_dim3A_44 = vector.broadcast %broadcast_in_dim3A : f32 to vector<16xf32>
      %select_n3A_45 = arith.select %eq3A_43, %get3A_40, %broadcast_in_dim3A_44 : vector<16xi1>, vector<16xf32>
      %reduce_sum3A = arith.constant true
      %reduce_sum3A_46 = vector.broadcast %reduce_sum3A : i1 to vector<16xi1>
      %reduce_sum3A_47 = tpu.scan <sum>, %select_n3A_45 masked %reduce_sum3A_46 : vector<16xf32>, vector<16xi1> -> vector<16xf32>
      %reduce_sum3A_48 = vector.extract %reduce_sum3A_47[15] : f32 from vector<16xf32>
      %broadcast_in_dim3A_49 = vector.broadcast %reduce_sum3A_48 : f32 to vector<16xf32>
      %jit3A_50 = arith.constant 16 : i32
      %div3A_51 = arith.divsi %scan3A_20, %jit3A_50 : i32
      %sign3A_52 = arith.constant 0 : i32
      %sign3A_53 = arith.cmpi sgt, %scan3A_20, %sign3A_52 : i32
      %sign3A_54 = arith.extui %sign3A_53 : i1 to i32
      %sign3A_55 = arith.constant 0 : i32
      %sign3A_56 = arith.cmpi slt, %scan3A_20, %sign3A_55 : i32
      %sign3A_57 = arith.extui %sign3A_56 : i1 to i32
      %sign3A_58 = arith.subi %sign3A_54, %sign3A_57 : i32
      %sign3A_59 = arith.constant 0 : i32
      %sign3A_60 = arith.cmpi sgt, %jit3A_50, %sign3A_59 : i32
      %sign3A_61 = arith.extui %sign3A_60 : i1 to i32
      %sign3A_62 = arith.constant 0 : i32
      %sign3A_63 = arith.cmpi slt, %jit3A_50, %sign3A_62 : i32
      %sign3A_64 = arith.extui %sign3A_63 : i1 to i32
      %sign3A_65 = arith.subi %sign3A_61, %sign3A_64 : i32
      %ne3A_66 = arith.cmpi ne, %sign3A_58, %sign3A_65 : i32
      %rem3A_67 = arith.remsi %scan3A_20, %jit3A_50 : i32
      %ne3A_68 = arith.constant 0 : i32
      %ne3A_69 = arith.cmpi ne, %rem3A_67, %ne3A_68 : i32
      %and3A_70 = arith.andi %ne3A_66, %ne3A_69 : i1
      %sub3A_71 = arith.constant 1 : i32
      %sub3A_72 = arith.subi %div3A_51, %sub3A_71 : i32
      %select_n3A_73 = arith.select %and3A_70, %sub3A_72, %div3A_51 : i32
      %mul3A_74 = arith.constant 16 : i32
      %mul3A_75 = arith.muli %select_n3A_73, %mul3A_74 : i32
      %get3A_76 = arith.index_cast %mul3A_75 : i32 to index
      %get3A_77 = tpu.vector_load %arg19[%get3A_76] {strides = array<i32>} : memref<128xf32, #tpu.memory_space<vmem>>, vector<16xf32>,
      %iota3A_78 = tpu.iota {dimensions = array<i32: 0>} : vector<16xi32>
      %sub3A_79 = arith.subi %scan3A_20, %mul3A_75 : i32
      %eq3A_80 = vector.broadcast %sub3A_79 : i32 to vector<16xi32>
      %eq3A_81 = arith.cmpi eq, %iota3A_78, %eq3A_80 : vector<16xi32>
      %broadcast_in_dim3A_82 = arith.constant 0.000000e+00 : f32
      %broadcast_in_dim3A_83 = vector.broadcast %broadcast_in_dim3A_82 : f32 to vector<16xf32>
      %select_n3A_84 = arith.select %eq3A_81, %get3A_77, %broadcast_in_dim3A_83 : vector<16xi1>, vector<16xf32>
      %reduce_sum3A_85 = arith.constant true
      %reduce_sum3A_86 = vector.broadcast %reduce_sum3A_85 : i1 to vector<16xi1>
      %reduce_sum3A_87 = tpu.scan <sum>, %select_n3A_84 masked %reduce_sum3A_86 : vector<16xf32>, vector<16xi1> -> vector<16xf32>
      %reduce_sum3A_88 = vector.extract %reduce_sum3A_87[15] : f32 from vector<16xf32>
      %broadcast_in_dim3A_89 = vector.broadcast %reduce_sum3A_88 : f32 to vector<16xf32>
      %jit3A_90 = arith.constant 16 : i32
      %div3A_91 = arith.divsi %scan3A_20, %jit3A_90 : i32
      %sign3A_92 = arith.constant 0 : i32
      %sign3A_93 = arith.cmpi sgt, %scan3A_20, %sign3A_92 : i32
      %sign3A_94 = arith.extui %sign3A_93 : i1 to i32
      %sign3A_95 = arith.constant 0 : i32
      %sign3A_96 = arith.cmpi slt, %scan3A_20, %sign3A_95 : i32
      %sign3A_97 = arith.extui %sign3A_96 : i1 to i32
      %sign3A_98 = arith.subi %sign3A_94, %sign3A_97 : i32
      %sign3A_99 = arith.constant 0 : i32
      %sign3A_100 = arith.cmpi sgt, %jit3A_90, %sign3A_99 : i32
      %sign3A_101 = arith.extui %sign3A_100 : i1 to i32
      %sign3A_102 = arith.constant 0 : i32
      %sign3A_103 = arith.cmpi slt, %jit3A_90, %sign3A_102 : i32
      %sign3A_104 = arith.extui %sign3A_103 : i1 to i32
      %sign3A_105 = arith.subi %sign3A_101, %sign3A_104 : i32
      %ne3A_106 = arith.cmpi ne, %sign3A_98, %sign3A_105 : i32
      %rem3A_107 = arith.remsi %scan3A_20, %jit3A_90 : i32
      %ne3A_108 = arith.constant 0 : i32
      %ne3A_109 = arith.cmpi ne, %rem3A_107, %ne3A_108 : i32
      %and3A_110 = arith.andi %ne3A_106, %ne3A_109 : i1
      %sub3A_111 = arith.constant 1 : i32
      %sub3A_112 = arith.subi %div3A_91, %sub3A_111 : i32
      %select_n3A_113 = arith.select %and3A_110, %sub3A_112, %div3A_91 : i32
      %mul3A_114 = arith.constant 16 : i32
      %mul3A_115 = arith.muli %select_n3A_113, %mul3A_114 : i32
      %get3A_116 = arith.index_cast %mul3A_115 : i32 to index
      %get3A_117 = tpu.vector_load %arg20[%get3A_116] {strides = array<i32>} : memref<128xf32, #tpu.memory_space<vmem>>, vector<16xf32>,
      %iota3A_118 = tpu.iota {dimensions = array<i32: 0>} : vector<16xi32>
      %sub3A_119 = arith.subi %scan3A_20, %mul3A_115 : i32
      %eq3A_120 = vector.broadcast %sub3A_119 : i32 to vector<16xi32>
      %eq3A_121 = arith.cmpi eq, %iota3A_118, %eq3A_120 : vector<16xi32>
      %broadcast_in_dim3A_122 = arith.constant 0.000000e+00 : f32
      %broadcast_in_dim3A_123 = vector.broadcast %broadcast_in_dim3A_122 : f32 to vector<16xf32>
      %select_n3A_124 = arith.select %eq3A_121, %get3A_117, %broadcast_in_dim3A_123 : vector<16xi1>, vector<16xf32>
      %reduce_sum3A_125 = arith.constant true
      %reduce_sum3A_126 = vector.broadcast %reduce_sum3A_125 : i1 to vector<16xi1>
      %reduce_sum3A_127 = tpu.scan <sum>, %select_n3A_124 masked %reduce_sum3A_126 : vector<16xf32>, vector<16xi1> -> vector<16xf32>
      %reduce_sum3A_128 = vector.extract %reduce_sum3A_127[15] : f32 from vector<16xf32>
      %broadcast_in_dim3A_129 = vector.broadcast %reduce_sum3A_128 : f32 to vector<16xf32>
      %mul3A_130 = arith.mulf %broadcast_in_dim3A_49, %broadcast_in_dim3A_49 : vector<16xf32>
      %mul3A_131 = arith.mulf %broadcast_in_dim3A_89, %broadcast_in_dim3A_89 : vector<16xf32>
      %add3A_132 = arith.addf %mul3A_130, %mul3A_131 : vector<16xf32>
      %mul3A_133 = arith.mulf %broadcast_in_dim3A_129, %broadcast_in_dim3A_129 : vector<16xf32>
      %add3A_134 = arith.addf %add3A_132, %mul3A_133 : vector<16xf32>
      %bitcast3A = vector.bitcast %broadcast_in_dim3A_49 : vector<16xf32> to vector<16xi32>
      %shift_right_logical3A = arith.constant 16 : i32
      %shift_right_logical3A_135 = vector.broadcast %shift_right_logical3A : i32 to vector<16xi32>
      %shift_right_logical3A_136 = arith.shrui %bitcast3A, %shift_right_logical3A_135 : vector<16xi32>
      %and3A_137 = arith.constant 1 : i32
      %and3A_138 = vector.broadcast %and3A_137 : i32 to vector<16xi32>
      %and3A_139 = arith.andi %shift_right_logical3A_136, %and3A_138 : vector<16xi32>
      %add3A_140 = arith.constant 32767 : i32
      %add3A_141 = vector.broadcast %add3A_140 : i32 to vector<16xi32>
      %add3A_142 = arith.addi %and3A_139, %add3A_141 : vector<16xi32>
      %add3A_143 = arith.addi %bitcast3A, %add3A_142 : vector<16xi32>
      %and3A_144 = arith.constant -65536 : i32
      %and3A_145 = vector.broadcast %and3A_144 : i32 to vector<16xi32>
      %and3A_146 = arith.andi %add3A_143, %and3A_145 : vector<16xi32>
      %bitcast3A_147 = vector.bitcast %and3A_146 : vector<16xi32> to vector<16xf32>
      %bitcast3A_148 = vector.bitcast %broadcast_in_dim3A_89 : vector<16xf32> to vector<16xi32>
      %shift_right_logical3A_149 = arith.constant 16 : i32
      %shift_right_logical3A_150 = vector.broadcast %shift_right_logical3A_149 : i32 to vector<16xi32>
      %shift_right_logical3A_151 = arith.shrui %bitcast3A_148, %shift_right_logical3A_150 : vector<16xi32>
      %and3A_152 = arith.constant 1 : i32
      %and3A_153 = vector.broadcast %and3A_152 : i32 to vector<16xi32>
      %and3A_154 = arith.andi %shift_right_logical3A_151, %and3A_153 : vector<16xi32>
      %add3A_155 = arith.constant 32767 : i32
      %add3A_156 = vector.broadcast %add3A_155 : i32 to vector<16xi32>
      %add3A_157 = arith.addi %and3A_154, %add3A_156 : vector<16xi32>
      %add3A_158 = arith.addi %bitcast3A_148, %add3A_157 : vector<16xi32>
      %and3A_159 = arith.constant -65536 : i32
      %and3A_160 = vector.broadcast %and3A_159 : i32 to vector<16xi32>
      %and3A_161 = arith.andi %add3A_158, %and3A_160 : vector<16xi32>
      %bitcast3A_162 = vector.bitcast %and3A_161 : vector<16xi32> to vector<16xf32>
      %bitcast3A_163 = vector.bitcast %broadcast_in_dim3A_129 : vector<16xf32> to vector<16xi32>
      %shift_right_logical3A_164 = arith.constant 16 : i32
      %shift_right_logical3A_165 = vector.broadcast %shift_right_logical3A_164 : i32 to vector<16xi32>
      %shift_right_logical3A_166 = arith.shrui %bitcast3A_163, %shift_right_logical3A_165 : vector<16xi32>
      %and3A_167 = arith.constant 1 : i32
      %and3A_168 = vector.broadcast %and3A_167 : i32 to vector<16xi32>
      %and3A_169 = arith.andi %shift_right_logical3A_166, %and3A_168 : vector<16xi32>
      %add3A_170 = arith.constant 32767 : i32
      %add3A_171 = vector.broadcast %add3A_170 : i32 to vector<16xi32>
      %add3A_172 = arith.addi %and3A_169, %add3A_171 : vector<16xi32>
      %add3A_173 = arith.addi %bitcast3A_163, %add3A_172 : vector<16xi32>
      %and3A_174 = arith.constant -65536 : i32
      %and3A_175 = vector.broadcast %and3A_174 : i32 to vector<16xi32>
      %and3A_176 = arith.andi %add3A_173, %and3A_175 : vector<16xi32>
      %bitcast3A_177 = vector.bitcast %and3A_176 : vector<16xi32> to vector<16xf32>
      %scan3A_178 = arith.constant 0 : i32
      %scan3A_179 = arith.constant 0 : i32
      %scan3A_180 = arith.constant 64 : i32
      %scan3A_181 = arith.addi %scan3A_179, %scan3A_180 : i32
      %scan3A_182 = arith.constant 1 : i32
      %scan3A_183 = scf.for %scan3A_228 = %scan3A_179 to %scan3A_181 step %scan3A_182 iter_args(%scan3A_229 = %scan3A_178) -> (i32)  : i32 {
        %broadcast_in_dim3A_230 = vector.broadcast %scan3A_9 : f32 to vector<16xf32>
        %scan3A_231 = arith.constant 0 : i32
        %scan3A_232 = arith.constant 16 : i32
        %scan3A_233 = arith.addi %scan3A_231, %scan3A_232 : i32
        %scan3A_234 = arith.constant 1 : i32
        %scan3A_235 = scf.for %scan3A_277 = %scan3A_231 to %scan3A_233 step %scan3A_234 iter_args(%scan3A_278 = %broadcast_in_dim3A_230) -> (vector<16xf32>)  : i32 {
          %mul3A_279 = arith.constant 256 : i32
          %mul3A_280 = arith.muli %scan3A_228, %mul3A_279 : i32
          %mul3A_281 = arith.constant 16 : i32
          %mul3A_282 = arith.muli %scan3A_277, %mul3A_281 : i32
          %add3A_283 = arith.addi %mul3A_280, %mul3A_282 : i32
          %get3A_284 = arith.index_cast %add3A_283 : i32 to index
          %get3A_285 = tpu.vector_load %arg10[%get3A_284] {strides = array<i32>} : memref<16384xf32, #tpu.memory_space<vmem>>, vector<16xf32>,
          %mul3A_286 = arith.mulf %bitcast3A_147, %get3A_285 : vector<16xf32>
          %get3A_287 = arith.index_cast %add3A_283 : i32 to index
          %get3A_288 = tpu.vector_load %arg11[%get3A_287] {strides = array<i32>} : memref<16384xf32, #tpu.memory_space<vmem>>, vector<16xf32>,
          %mul3A_289 = arith.mulf %bitcast3A_162, %get3A_288 : vector<16xf32>
          %add3A_290 = arith.addf %mul3A_286, %mul3A_289 : vector<16xf32>
          %get3A_291 = arith.index_cast %add3A_283 : i32 to index
          %get3A_292 = tpu.vector_load %arg12[%get3A_291] {strides = array<i32>} : memref<16384xf32, #tpu.memory_space<vmem>>, vector<16xf32>,
          %mul3A_293 = arith.mulf %bitcast3A_177, %get3A_292 : vector<16xf32>
          %add3A_294 = arith.addf %add3A_290, %mul3A_293 : vector<16xf32>
          %get3A_295 = arith.index_cast %add3A_283 : i32 to index
          %get3A_296 = tpu.vector_load %arg13[%get3A_295] {strides = array<i32>} : memref<16384xf32, #tpu.memory_space<vmem>>, vector<16xf32>,
          %add3A_297 = arith.addf %add3A_134, %get3A_296 : vector<16xf32>
          %mul3A_298 = arith.constant 2.000000e+00 : f32
          %mul3A_299 = vector.broadcast %mul3A_298 : f32 to vector<16xf32>
          %mul3A_300 = arith.mulf %mul3A_299, %add3A_294 : vector<16xf32>
          %sub3A_301 = arith.subf %add3A_297, %mul3A_300 : vector<16xf32>
          %max3A = arith.constant 0.000000e+00 : f32
          %max3A_302 = vector.broadcast %max3A : f32 to vector<16xf32>
          %max3A_303 = arith.maximumf %sub3A_301, %max3A_302 : vector<16xf32>
          %swap3A_304 = arith.index_cast %add3A_283 : i32 to index
          %swap3A_305 = tpu.vector_load %arg14[%swap3A_304] {strides = array<i32>} : memref<16384xf32, #tpu.memory_space<vmem>>, vector<16xf32>,
          tpu.vector_store %arg14[%swap3A_304], %max3A_303 {strides = array<i32>} : memref<16384xf32, #tpu.memory_space<vmem>>, vector<16xf32>,
          %min3A = arith.minimumf %scan3A_278, %max3A_303 : vector<16xf32>
          scf.yield %min3A : vector<16xf32>
        }
        %scan3A_236 = arith.constant 16 : i32
        %reduce_min3A = arith.constant true
        %reduce_min3A_237 = vector.broadcast %reduce_min3A : i1 to vector<16xi1>
        %reduce_min3A_238 = tpu.scan <min>, %scan3A_235 masked %reduce_min3A_237 : vector<16xf32>, vector<16xi1> -> vector<16xf32>
        %reduce_min3A_239 = vector.extract %reduce_min3A_238[15] : f32 from vector<16xf32>
        %jit3A_240 = arith.constant 16 : i32
        %div3A_241 = arith.divsi %scan3A_228, %jit3A_240 : i32
        %sign3A_242 = arith.constant 0 : i32
        %sign3A_243 = arith.cmpi sgt, %scan3A_228, %sign3A_242 : i32
        %sign3A_244 = arith.extui %sign3A_243 : i1 to i32
        %sign3A_245 = arith.constant 0 : i32
        %sign3A_246 = arith.cmpi slt, %scan3A_228, %sign3A_245 : i32
        %sign3A_247 = arith.extui %sign3A_246 : i1 to i32
        %sign3A_248 = arith.subi %sign3A_244, %sign3A_247 : i32
        %sign3A_249 = arith.constant 0 : i32
        %sign3A_250 = arith.cmpi sgt, %jit3A_240, %sign3A_249 : i32
        %sign3A_251 = arith.extui %sign3A_250 : i1 to i32
        %sign3A_252 = arith.constant 0 : i32
        %sign3A_253 = arith.cmpi slt, %jit3A_240, %sign3A_252 : i32
        %sign3A_254 = arith.extui %sign3A_253 : i1 to i32
        %sign3A_255 = arith.subi %sign3A_251, %sign3A_254 : i32
        %ne3A_256 = arith.cmpi ne, %sign3A_248, %sign3A_255 : i32
        %rem3A_257 = arith.remsi %scan3A_228, %jit3A_240 : i32
        %ne3A_258 = arith.constant 0 : i32
        %ne3A_259 = arith.cmpi ne, %rem3A_257, %ne3A_258 : i32
        %and3A_260 = arith.andi %ne3A_256, %ne3A_259 : i1
        %sub3A_261 = arith.constant 1 : i32
        %sub3A_262 = arith.subi %div3A_241, %sub3A_261 : i32
        %select_n3A_263 = arith.select %and3A_260, %sub3A_262, %div3A_241 : i32
        %mul3A_264 = arith.constant 16 : i32
        %mul3A_265 = arith.muli %select_n3A_263, %mul3A_264 : i32
        %iota3A_266 = tpu.iota {dimensions = array<i32: 0>} : vector<16xi32>
        %get3A_267 = arith.index_cast %mul3A_265 : i32 to index
        %get3A_268 = tpu.vector_load %arg15[%get3A_267] {strides = array<i32>} : memref<64xf32, #tpu.memory_space<vmem>>, vector<16xf32>,
        %sub3A_269 = arith.subi %scan3A_228, %mul3A_265 : i32
        %eq3A_270 = vector.broadcast %sub3A_269 : i32 to vector<16xi32>
        %eq3A_271 = arith.cmpi eq, %iota3A_266, %eq3A_270 : vector<16xi32>
        %broadcast_in_dim3A_272 = vector.broadcast %reduce_min3A_239 : f32 to vector<16xf32>
        %select_n3A_273 = arith.select %eq3A_271, %broadcast_in_dim3A_272, %get3A_268 : vector<16xi1>, vector<16xf32>
        %swap3A_274 = arith.index_cast %mul3A_265 : i32 to index
        %swap3A_275 = tpu.vector_load %arg15[%swap3A_274] {strides = array<i32>} : memref<64xf32, #tpu.memory_space<vmem>>, vector<16xf32>,
        tpu.vector_store %arg15[%swap3A_274], %select_n3A_273 {strides = array<i32>} : memref<64xf32, #tpu.memory_space<vmem>>, vector<16xf32>,
        %scan3A_276 = arith.constant 0 : i32
        scf.yield %scan3A_276 : i32
      }
      %scan3A_184 = arith.constant 64 : i32
      %scan3A_185 = arith.constant 0 : i32
      %scan3A_186 = arith.constant 0 : i32
      %scan3A_187 = arith.constant 64 : i32
      %scan3A_188 = arith.addi %scan3A_186, %scan3A_187 : i32
      %scan3A_189 = arith.constant 1 : i32
      %scan3A_190 = scf.for %scan3A_228 = %scan3A_186 to %scan3A_188 step %scan3A_189 iter_args(%scan3A_229 = %scan3A_185) -> (i32)  : i32 {
        %get3A_230 = arith.constant 0 : index
        %get3A_231 = tpu.vector_load %arg15[%get3A_230] {strides = array<i32>} : memref<64xf32, #tpu.memory_space<vmem>>, vector<16xf32>,
        %get3A_232 = arith.constant 16 : index
        %get3A_233 = tpu.vector_load %arg15[%get3A_232] {strides = array<i32>} : memref<64xf32, #tpu.memory_space<vmem>>, vector<16xf32>,
        %get3A_234 = arith.constant 32 : index
        %get3A_235 = tpu.vector_load %arg15[%get3A_234] {strides = array<i32>} : memref<64xf32, #tpu.memory_space<vmem>>, vector<16xf32>,
        %get3A_236 = arith.constant 48 : index
        %get3A_237 = tpu.vector_load %arg15[%get3A_236] {strides = array<i32>} : memref<64xf32, #tpu.memory_space<vmem>>, vector<16xf32>,
        %min3A = arith.minimumf %get3A_231, %get3A_233 : vector<16xf32>
        %min3A_238 = arith.minimumf %min3A, %get3A_235 : vector<16xf32>
        %min3A_239 = arith.minimumf %min3A_238, %get3A_237 : vector<16xf32>
        %reduce_min3A = arith.constant true
        %reduce_min3A_240 = vector.broadcast %reduce_min3A : i1 to vector<16xi1>
        %reduce_min3A_241 = tpu.scan <min>, %min3A_239 masked %reduce_min3A_240 : vector<16xf32>, vector<16xi1> -> vector<16xf32>
        %reduce_min3A_242 = vector.extract %reduce_min3A_241[15] : f32 from vector<16xf32>
        %broadcast_in_dim3A_243 = vector.broadcast %reduce_min3A_242 : f32 to vector<16xf32>
        %broadcast_in_dim3A_244 = vector.broadcast %scan3A_10 : i32 to vector<16xi32>
        %eq3A_245 = arith.cmpf oeq, %get3A_231, %broadcast_in_dim3A_243 : vector<16xf32>
        %add3A_246 = arith.constant 0 : i32
        %add3A_247 = vector.broadcast %add3A_246 : i32 to vector<16xi32>
        %add3A_248 = arith.addi %iota3A, %add3A_247 : vector<16xi32>
        %broadcast_in_dim3A_249 = vector.broadcast %scan3A_10 : i32 to vector<16xi32>
        %select_n3A_250 = arith.select %eq3A_245, %add3A_248, %broadcast_in_dim3A_249 : vector<16xi1>, vector<16xi32>
        %min3A_251 = arith.minsi %broadcast_in_dim3A_244, %select_n3A_250 : vector<16xi32>
        %eq3A_252 = arith.cmpf oeq, %get3A_233, %broadcast_in_dim3A_243 : vector<16xf32>
        %add3A_253 = arith.constant 16 : i32
        %add3A_254 = vector.broadcast %add3A_253 : i32 to vector<16xi32>
        %add3A_255 = arith.addi %iota3A, %add3A_254 : vector<16xi32>
        %broadcast_in_dim3A_256 = vector.broadcast %scan3A_10 : i32 to vector<16xi32>
        %select_n3A_257 = arith.select %eq3A_252, %add3A_255, %broadcast_in_dim3A_256 : vector<16xi1>, vector<16xi32>
        %min3A_258 = arith.minsi %min3A_251, %select_n3A_257 : vector<16xi32>
        %eq3A_259 = arith.cmpf oeq, %get3A_235, %broadcast_in_dim3A_243 : vector<16xf32>
        %add3A_260 = arith.constant 32 : i32
        %add3A_261 = vector.broadcast %add3A_260 : i32 to vector<16xi32>
        %add3A_262 = arith.addi %iota3A, %add3A_261 : vector<16xi32>
        %broadcast_in_dim3A_263 = vector.broadcast %scan3A_10 : i32 to vector<16xi32>
        %select_n3A_264 = arith.select %eq3A_259, %add3A_262, %broadcast_in_dim3A_263 : vector<16xi1>, vector<16xi32>
        %min3A_265 = arith.minsi %min3A_258, %select_n3A_264 : vector<16xi32>
        %eq3A_266 = arith.cmpf oeq, %get3A_237, %broadcast_in_dim3A_243 : vector<16xf32>
        %add3A_267 = arith.constant 48 : i32
        %add3A_268 = vector.broadcast %add3A_267 : i32 to vector<16xi32>
        %add3A_269 = arith.addi %iota3A, %add3A_268 : vector<16xi32>
        %broadcast_in_dim3A_270 = vector.broadcast %scan3A_10 : i32 to vector<16xi32>
        %select_n3A_271 = arith.select %eq3A_266, %add3A_269, %broadcast_in_dim3A_270 : vector<16xi1>, vector<16xi32>
        %min3A_272 = arith.minsi %min3A_265, %select_n3A_271 : vector<16xi32>
        %reduce_min3A_273 = arith.constant true
        %reduce_min3A_274 = vector.broadcast %reduce_min3A_273 : i1 to vector<16xi1>
        %reduce_min3A_275 = arith.constant -2147483648 : i32
        %reduce_min3A_276 = vector.broadcast %reduce_min3A_275 : i32 to vector<16xi32>
        %reduce_min3A_277 = arith.xori %min3A_272, %reduce_min3A_276 : vector<16xi32>
        %reduce_min3A_278 = tpu.scan <min>, %reduce_min3A_277 masked %reduce_min3A_274 : vector<16xi32>, vector<16xi1> -> vector<16xi32>
        %reduce_min3A_279 = arith.xori %reduce_min3A_278, %reduce_min3A_276 : vector<16xi32>
        %reduce_min3A_280 = vector.extract %reduce_min3A_279[15] : i32 from vector<16xi32>
        %mul3A_281 = arith.constant 256 : i32
        %mul3A_282 = arith.muli %reduce_min3A_280, %mul3A_281 : i32
        %broadcast_in_dim3A_283 = vector.broadcast %scan3A_10 : i32 to vector<16xi32>
        %scan3A_284 = arith.constant 0 : i32
        %scan3A_285 = arith.constant 16 : i32
        %scan3A_286 = arith.addi %scan3A_284, %scan3A_285 : i32
        %scan3A_287 = arith.constant 1 : i32
        %scan3A_288 = scf.for %scan3A_426 = %scan3A_284 to %scan3A_286 step %scan3A_287 iter_args(%scan3A_427 = %broadcast_in_dim3A_283) -> (vector<16xi32>)  : i32 {
          %mul3A_428 = arith.constant 16 : i32
          %mul3A_429 = arith.muli %scan3A_426, %mul3A_428 : i32
          %add3A_430 = arith.addi %mul3A_282, %mul3A_429 : i32
          %get3A_431 = arith.index_cast %add3A_430 : i32 to index
          %get3A_432 = tpu.vector_load %arg14[%get3A_431] {strides = array<i32>} : memref<16384xf32, #tpu.memory_space<vmem>>, vector<16xf32>,
          %eq3A_433 = arith.cmpf oeq, %get3A_432, %broadcast_in_dim3A_243 : vector<16xf32>
          %mul3A_434 = arith.constant 16 : i32
          %mul3A_435 = arith.muli %scan3A_426, %mul3A_434 : i32
          %add3A_436 = vector.broadcast %mul3A_435 : i32 to vector<16xi32>
          %add3A_437 = arith.addi %add3A_436, %iota3A : vector<16xi32>
          %broadcast_in_dim3A_438 = vector.broadcast %scan3A_10 : i32 to vector<16xi32>
          %select_n3A_439 = arith.select %eq3A_433, %add3A_437, %broadcast_in_dim3A_438 : vector<16xi1>, vector<16xi32>
          %min3A_440 = arith.minsi %scan3A_427, %select_n3A_439 : vector<16xi32>
          scf.yield %min3A_440 : vector<16xi32>
        }
        %scan3A_289 = arith.constant 16 : i32
        %reduce_min3A_290 = arith.constant true
        %reduce_min3A_291 = vector.broadcast %reduce_min3A_290 : i1 to vector<16xi1>
        %reduce_min3A_292 = arith.constant -2147483648 : i32
        %reduce_min3A_293 = vector.broadcast %reduce_min3A_292 : i32 to vector<16xi32>
        %reduce_min3A_294 = arith.xori %scan3A_288, %reduce_min3A_293 : vector<16xi32>
        %reduce_min3A_295 = tpu.scan <min>, %reduce_min3A_294 masked %reduce_min3A_291 : vector<16xi32>, vector<16xi1> -> vector<16xi32>
        %reduce_min3A_296 = arith.xori %reduce_min3A_295, %reduce_min3A_293 : vector<16xi32>
        %reduce_min3A_297 = vector.extract %reduce_min3A_296[15] : i32 from vector<16xi32>
        %add3A_298 = arith.addi %mul3A_282, %reduce_min3A_297 : i32
        %jit3A_299 = arith.constant 16 : i32
        %div3A_300 = arith.divsi %add3A_298, %jit3A_299 : i32
        %sign3A_301 = arith.constant 0 : i32
        %sign3A_302 = arith.cmpi sgt, %add3A_298, %sign3A_301 : i32
        %sign3A_303 = arith.extui %sign3A_302 : i1 to i32
        %sign3A_304 = arith.constant 0 : i32
        %sign3A_305 = arith.cmpi slt, %add3A_298, %sign3A_304 : i32
        %sign3A_306 = arith.extui %sign3A_305 : i1 to i32
        %sign3A_307 = arith.subi %sign3A_303, %sign3A_306 : i32
        %sign3A_308 = arith.constant 0 : i32
        %sign3A_309 = arith.cmpi sgt, %jit3A_299, %sign3A_308 : i32
        %sign3A_310 = arith.extui %sign3A_309 : i1 to i32
        %sign3A_311 = arith.constant 0 : i32
        %sign3A_312 = arith.cmpi slt, %jit3A_299, %sign3A_311 : i32
        %sign3A_313 = arith.extui %sign3A_312 : i1 to i32
        %sign3A_314 = arith.subi %sign3A_310, %sign3A_313 : i32
        %ne3A_315 = arith.cmpi ne, %sign3A_307, %sign3A_314 : i32
        %rem3A_316 = arith.remsi %add3A_298, %jit3A_299 : i32
        %ne3A_317 = arith.constant 0 : i32
        %ne3A_318 = arith.cmpi ne, %rem3A_316, %ne3A_317 : i32
        %and3A_319 = arith.andi %ne3A_315, %ne3A_318 : i1
        %sub3A_320 = arith.constant 1 : i32
        %sub3A_321 = arith.subi %div3A_300, %sub3A_320 : i32
        %select_n3A_322 = arith.select %and3A_319, %sub3A_321, %div3A_300 : i32
        %mul3A_323 = arith.constant 16 : i32
        %mul3A_324 = arith.muli %select_n3A_322, %mul3A_323 : i32
        %iota3A_325 = tpu.iota {dimensions = array<i32: 0>} : vector<16xi32>
        %get3A_326 = arith.index_cast %mul3A_324 : i32 to index
        %get3A_327 = tpu.vector_load %arg14[%get3A_326] {strides = array<i32>} : memref<16384xf32, #tpu.memory_space<vmem>>, vector<16xf32>,
        %sub3A_328 = arith.subi %add3A_298, %mul3A_324 : i32
        %eq3A_329 = vector.broadcast %sub3A_328 : i32 to vector<16xi32>
        %eq3A_330 = arith.cmpi eq, %iota3A_325, %eq3A_329 : vector<16xi32>
        %broadcast_in_dim3A_331 = vector.broadcast %scan3A_9 : f32 to vector<16xf32>
        %select_n3A_332 = arith.select %eq3A_330, %broadcast_in_dim3A_331, %get3A_327 : vector<16xi1>, vector<16xf32>
        %swap3A_333 = arith.index_cast %mul3A_324 : i32 to index
        %swap3A_334 = tpu.vector_load %arg14[%swap3A_333] {strides = array<i32>} : memref<16384xf32, #tpu.memory_space<vmem>>, vector<16xf32>,
        tpu.vector_store %arg14[%swap3A_333], %select_n3A_332 {strides = array<i32>} : memref<16384xf32, #tpu.memory_space<vmem>>, vector<16xf32>,
        %broadcast_in_dim3A_335 = vector.broadcast %scan3A_9 : f32 to vector<16xf32>
        %scan3A_336 = arith.constant 0 : i32
        %scan3A_337 = arith.constant 16 : i32
        %scan3A_338 = arith.addi %scan3A_336, %scan3A_337 : i32
        %scan3A_339 = arith.constant 1 : i32
        %scan3A_340 = scf.for %scan3A_426 = %scan3A_336 to %scan3A_338 step %scan3A_339 iter_args(%scan3A_427 = %broadcast_in_dim3A_335) -> (vector<16xf32>)  : i32 {
          %mul3A_428 = arith.constant 16 : i32
          %mul3A_429 = arith.muli %scan3A_426, %mul3A_428 : i32
          %add3A_430 = arith.addi %mul3A_282, %mul3A_429 : i32
          %get3A_431 = arith.index_cast %add3A_430 : i32 to index
          %get3A_432 = tpu.vector_load %arg14[%get3A_431] {strides = array<i32>} : memref<16384xf32, #tpu.memory_space<vmem>>, vector<16xf32>,
          %min3A_433 = arith.minimumf %scan3A_427, %get3A_432 : vector<16xf32>
          scf.yield %min3A_433 : vector<16xf32>
        }
        %scan3A_341 = arith.constant 16 : i32
        %reduce_min3A_342 = arith.constant true
        %reduce_min3A_343 = vector.broadcast %reduce_min3A_342 : i1 to vector<16xi1>
        %reduce_min3A_344 = tpu.scan <min>, %scan3A_340 masked %reduce_min3A_343 : vector<16xf32>, vector<16xi1> -> vector<16xf32>
        %reduce_min3A_345 = vector.extract %reduce_min3A_344[15] : f32 from vector<16xf32>
        %jit3A_346 = arith.constant 16 : i32
        %div3A_347 = arith.divsi %reduce_min3A_280, %jit3A_346 : i32
        %sign3A_348 = arith.constant 0 : i32
        %sign3A_349 = arith.cmpi sgt, %reduce_min3A_280, %sign3A_348 : i32
        %sign3A_350 = arith.extui %sign3A_349 : i1 to i32
        %sign3A_351 = arith.constant 0 : i32
        %sign3A_352 = arith.cmpi slt, %reduce_min3A_280, %sign3A_351 : i32
        %sign3A_353 = arith.extui %sign3A_352 : i1 to i32
        %sign3A_354 = arith.subi %sign3A_350, %sign3A_353 : i32
        %sign3A_355 = arith.constant 0 : i32
        %sign3A_356 = arith.cmpi sgt, %jit3A_346, %sign3A_355 : i32
        %sign3A_357 = arith.extui %sign3A_356 : i1 to i32
        %sign3A_358 = arith.constant 0 : i32
        %sign3A_359 = arith.cmpi slt, %jit3A_346, %sign3A_358 : i32
        %sign3A_360 = arith.extui %sign3A_359 : i1 to i32
        %sign3A_361 = arith.subi %sign3A_357, %sign3A_360 : i32
        %ne3A_362 = arith.cmpi ne, %sign3A_354, %sign3A_361 : i32
        %rem3A_363 = arith.remsi %reduce_min3A_280, %jit3A_346 : i32
        %ne3A_364 = arith.constant 0 : i32
        %ne3A_365 = arith.cmpi ne, %rem3A_363, %ne3A_364 : i32
        %and3A_366 = arith.andi %ne3A_362, %ne3A_365 : i1
        %sub3A_367 = arith.constant 1 : i32
        %sub3A_368 = arith.subi %div3A_347, %sub3A_367 : i32
        %select_n3A_369 = arith.select %and3A_366, %sub3A_368, %div3A_347 : i32
        %mul3A_370 = arith.constant 16 : i32
        %mul3A_371 = arith.muli %select_n3A_369, %mul3A_370 : i32
        %iota3A_372 = tpu.iota {dimensions = array<i32: 0>} : vector<16xi32>
        %get3A_373 = arith.index_cast %mul3A_371 : i32 to index
        %get3A_374 = tpu.vector_load %arg15[%get3A_373] {strides = array<i32>} : memref<64xf32, #tpu.memory_space<vmem>>, vector<16xf32>,
        %sub3A_375 = arith.subi %reduce_min3A_280, %mul3A_371 : i32
        %eq3A_376 = vector.broadcast %sub3A_375 : i32 to vector<16xi32>
        %eq3A_377 = arith.cmpi eq, %iota3A_372, %eq3A_376 : vector<16xi32>
        %broadcast_in_dim3A_378 = vector.broadcast %reduce_min3A_345 : f32 to vector<16xf32>
        %select_n3A_379 = arith.select %eq3A_377, %broadcast_in_dim3A_378, %get3A_374 : vector<16xi1>, vector<16xf32>
        %swap3A_380 = arith.index_cast %mul3A_371 : i32 to index
        %swap3A_381 = tpu.vector_load %arg15[%swap3A_380] {strides = array<i32>} : memref<64xf32, #tpu.memory_space<vmem>>, vector<16xf32>,
        tpu.vector_store %arg15[%swap3A_380], %select_n3A_379 {strides = array<i32>} : memref<64xf32, #tpu.memory_space<vmem>>, vector<16xf32>,
        %mul3A_382 = arith.constant 64 : i32
        %mul3A_383 = arith.muli %scan3A_20, %mul3A_382 : i32
        %add3A_384 = arith.addi %mul3A_383, %scan3A_228 : i32
        %jit3A_385 = arith.constant 16 : i32
        %div3A_386 = arith.divsi %add3A_384, %jit3A_385 : i32
        %sign3A_387 = arith.constant 0 : i32
        %sign3A_388 = arith.cmpi sgt, %add3A_384, %sign3A_387 : i32
        %sign3A_389 = arith.extui %sign3A_388 : i1 to i32
        %sign3A_390 = arith.constant 0 : i32
        %sign3A_391 = arith.cmpi slt, %add3A_384, %sign3A_390 : i32
        %sign3A_392 = arith.extui %sign3A_391 : i1 to i32
        %sign3A_393 = arith.subi %sign3A_389, %sign3A_392 : i32
        %sign3A_394 = arith.constant 0 : i32
        %sign3A_395 = arith.cmpi sgt, %jit3A_385, %sign3A_394 : i32
        %sign3A_396 = arith.extui %sign3A_395 : i1 to i32
        %sign3A_397 = arith.constant 0 : i32
        %sign3A_398 = arith.cmpi slt, %jit3A_385, %sign3A_397 : i32
        %sign3A_399 = arith.extui %sign3A_398 : i1 to i32
        %sign3A_400 = arith.subi %sign3A_396, %sign3A_399 : i32
        %ne3A_401 = arith.cmpi ne, %sign3A_393, %sign3A_400 : i32
        %rem3A_402 = arith.remsi %add3A_384, %jit3A_385 : i32
        %ne3A_403 = arith.constant 0 : i32
        %ne3A_404 = arith.cmpi ne, %rem3A_402, %ne3A_403 : i32
        %and3A_405 = arith.andi %ne3A_401, %ne3A_404 : i1
        %sub3A_406 = arith.constant 1 : i32
        %sub3A_407 = arith.subi %div3A_386, %sub3A_406 : i32
        %select_n3A_408 = arith.select %and3A_405, %sub3A_407, %div3A_386 : i32
        %mul3A_409 = arith.constant 16 : i32
        %mul3A_410 = arith.muli %select_n3A_408, %mul3A_409 : i32
        %iota3A_411 = tpu.iota {dimensions = array<i32: 0>} : vector<16xi32>
        %get3A_412 = arith.index_cast %mul3A_410 : i32 to index
        %get3A_413 = tpu.vector_load %arg16[%get3A_412] {strides = array<i32>} : memref<8192xi32, #tpu.memory_space<vmem>>, vector<16xi32>,
        %sub3A_414 = arith.subi %add3A_384, %mul3A_410 : i32
        %eq3A_415 = vector.broadcast %sub3A_414 : i32 to vector<16xi32>
        %eq3A_416 = arith.cmpi eq, %iota3A_411, %eq3A_415 : vector<16xi32>
        %broadcast_in_dim3A_417 = vector.broadcast %add3A_298 : i32 to vector<16xi32>
        %select_n3A_418 = arith.select %eq3A_416, %broadcast_in_dim3A_417, %get3A_413 : vector<16xi1>, vector<16xi32>
        %swap3A_419 = arith.index_cast %mul3A_410 : i32 to index
        %swap3A_420 = tpu.vector_load %arg16[%swap3A_419] {strides = array<i32>} : memref<8192xi32, #tpu.memory_space<vmem>>, vector<16xi32>,
        tpu.vector_store %arg16[%swap3A_419], %select_n3A_418 {strides = array<i32>} : memref<8192xi32, #tpu.memory_space<vmem>>, vector<16xi32>,
        %le3A = arith.constant 4.000000e-02 : f32
        %le3A_421 = arith.cmpf ole, %reduce_min3A_242, %le3A : f32
        %jit3A_422 = arith.constant 1 : i32
        %jit3A_423 = arith.constant 0 : i32
        %select_n3A_424 = arith.select %le3A_421, %jit3A_422, %jit3A_423 : i32
        %add3A_425 = arith.addi %scan3A_229, %select_n3A_424 : i32
        scf.yield %add3A_425 : i32
      }
      %scan3A_191 = arith.constant 64 : i32
      %jit3A_192 = arith.constant 16 : i32
      %div3A_193 = arith.divsi %scan3A_20, %jit3A_192 : i32
      %sign3A_194 = arith.constant 0 : i32
      %sign3A_195 = arith.cmpi sgt, %scan3A_20, %sign3A_194 : i32
      %sign3A_196 = arith.extui %sign3A_195 : i1 to i32
      %sign3A_197 = arith.constant 0 : i32
      %sign3A_198 = arith.cmpi slt, %scan3A_20, %sign3A_197 : i32
      %sign3A_199 = arith.extui %sign3A_198 : i1 to i32
      %sign3A_200 = arith.subi %sign3A_196, %sign3A_199 : i32
      %sign3A_201 = arith.constant 0 : i32
      %sign3A_202 = arith.cmpi sgt, %jit3A_192, %sign3A_201 : i32
      %sign3A_203 = arith.extui %sign3A_202 : i1 to i32
      %sign3A_204 = arith.constant 0 : i32
      %sign3A_205 = arith.cmpi slt, %jit3A_192, %sign3A_204 : i32
      %sign3A_206 = arith.extui %sign3A_205 : i1 to i32
      %sign3A_207 = arith.subi %sign3A_203, %sign3A_206 : i32
      %ne3A_208 = arith.cmpi ne, %sign3A_200, %sign3A_207 : i32
      %rem3A_209 = arith.remsi %scan3A_20, %jit3A_192 : i32
      %ne3A_210 = arith.constant 0 : i32
      %ne3A_211 = arith.cmpi ne, %rem3A_209, %ne3A_210 : i32
      %and3A_212 = arith.andi %ne3A_208, %ne3A_211 : i1
      %sub3A_213 = arith.constant 1 : i32
      %sub3A_214 = arith.subi %div3A_193, %sub3A_213 : i32
      %select_n3A_215 = arith.select %and3A_212, %sub3A_214, %div3A_193 : i32
      %mul3A_216 = arith.constant 16 : i32
      %mul3A_217 = arith.muli %select_n3A_215, %mul3A_216 : i32
      %iota3A_218 = tpu.iota {dimensions = array<i32: 0>} : vector<16xi32>
      %get3A_219 = arith.index_cast %mul3A_217 : i32 to index
      %get3A_220 = tpu.vector_load %arg17[%get3A_219] {strides = array<i32>} : memref<128xi32, #tpu.memory_space<vmem>>, vector<16xi32>,
      %sub3A_221 = arith.subi %scan3A_20, %mul3A_217 : i32
      %eq3A_222 = vector.broadcast %sub3A_221 : i32 to vector<16xi32>
      %eq3A_223 = arith.cmpi eq, %iota3A_218, %eq3A_222 : vector<16xi32>
      %broadcast_in_dim3A_224 = vector.broadcast %scan3A_190 : i32 to vector<16xi32>
      %select_n3A_225 = arith.select %eq3A_223, %broadcast_in_dim3A_224, %get3A_220 : vector<16xi1>, vector<16xi32>
      %swap3A = arith.index_cast %mul3A_217 : i32 to index
      %swap3A_226 = tpu.vector_load %arg17[%swap3A] {strides = array<i32>} : memref<128xi32, #tpu.memory_space<vmem>>, vector<16xi32>,
      tpu.vector_store %arg17[%swap3A], %select_n3A_225 {strides = array<i32>} : memref<128xi32, #tpu.memory_space<vmem>>, vector<16xi32>,
      %scan3A_227 = arith.constant 0 : i32
      scf.yield %scan3A_227 : i32
    }
    %scan3A_17 = arith.constant 128 : i32
    %mul3A_18 = arith.constant 64 : i32
    %mul3A_19 = arith.muli %mul3A_2, %mul3A_18 : i32
    "tpu.region"() ({
      %run_scoped3A = tpu.sem_alloc : memref<!tpu.dma_semaphore, #tpu.memory_space<semaphore_mem>>
      %dma_start3A = tpu.memref_slice %arg8[%mul3A_19] : memref<262144xi32, #tpu.memory_space<hbm>> -> memref<8192xi32, #tpu.memory_space<hbm>>
      %dma_start3A_20 = tpu.memref_slice %arg8[%mul3A_19] : memref<262144xi32, #tpu.memory_space<hbm>> -> memref<8192xi32, #tpu.memory_space<hbm>>
      tpu.enqueue_dma source(%arg16 : memref<8192xi32, #tpu.memory_space<vmem>>) target(%dma_start3A_20 : memref<8192xi32, #tpu.memory_space<hbm>>) target_semaphore(%run_scoped3A : memref<!tpu.dma_semaphore, #tpu.memory_space<semaphore_mem>>)
      %dma_wait3A = tpu.memref_slice %arg8[%mul3A_19] : memref<262144xi32, #tpu.memory_space<hbm>> -> memref<8192xi32, #tpu.memory_space<hbm>>
      %dma_wait3A_21 = tpu.memref_slice %arg8[%mul3A_19] : memref<262144xi32, #tpu.memory_space<hbm>> -> memref<8192xi32, #tpu.memory_space<hbm>>
      tpu.wait_dma2 semaphore(%run_scoped3A : memref<!tpu.dma_semaphore, #tpu.memory_space<semaphore_mem>>) src(%arg16 : memref<8192xi32, #tpu.memory_space<vmem>>) dst(%dma_wait3A_21 : memref<8192xi32, #tpu.memory_space<hbm>>)
      tpu.yield
    }) : () -> ()
    "tpu.region"() ({
      %run_scoped3A = tpu.sem_alloc : memref<!tpu.dma_semaphore, #tpu.memory_space<semaphore_mem>>
      %dma_start3A = tpu.memref_slice %arg9[%mul3A_2] : memref<4096xi32, #tpu.memory_space<hbm>> -> memref<128xi32, #tpu.memory_space<hbm>>
      %dma_start3A_20 = tpu.memref_slice %arg9[%mul3A_2] : memref<4096xi32, #tpu.memory_space<hbm>> -> memref<128xi32, #tpu.memory_space<hbm>>
      tpu.enqueue_dma source(%arg17 : memref<128xi32, #tpu.memory_space<vmem>>) target(%dma_start3A_20 : memref<128xi32, #tpu.memory_space<hbm>>) target_semaphore(%run_scoped3A : memref<!tpu.dma_semaphore, #tpu.memory_space<semaphore_mem>>)
      %dma_wait3A = tpu.memref_slice %arg9[%mul3A_2] : memref<4096xi32, #tpu.memory_space<hbm>> -> memref<128xi32, #tpu.memory_space<hbm>>
      %dma_wait3A_21 = tpu.memref_slice %arg9[%mul3A_2] : memref<4096xi32, #tpu.memory_space<hbm>> -> memref<128xi32, #tpu.memory_space<hbm>>
      tpu.wait_dma2 semaphore(%run_scoped3A : memref<!tpu.dma_semaphore, #tpu.memory_space<semaphore_mem>>) src(%arg17 : memref<128xi32, #tpu.memory_space<vmem>>) dst(%dma_wait3A_21 : memref<128xi32, #tpu.memory_space<hbm>>)
      tpu.yield
    }) : () -> ()
    return
  }
}

module attributes {stable_mosaic.version = 14 : i64} {
  func.func @_fps_body(%arg0: memref<128x128xf32, #tpu.memory_space<vmem>>, %arg1: memref<128x128xf32, #tpu.memory_space<vmem>>, %arg2: memref<128x128xf32, #tpu.memory_space<vmem>>, %arg3: memref<4096x1xi32, #tpu.memory_space<vmem>>, %arg4: memref<128x128xf32, #tpu.memory_space<vmem>>, %arg5: memref<128x1xf32, #tpu.memory_space<vmem>>) attributes {dimension_semantics = [], scalar_prefetch = 0 : i64, scratch_operands = 2 : i64, tpu.core_type = #tpu.core_type<tc>} {
    %get3A = arith.constant 0 : index
    %get3A_0 = arith.constant 0 : index
    %get3A_1 = vector.load %arg0[%get3A, %get3A_0] : memref<128x128xf32, #tpu.memory_space<vmem>>, vector<128x128xf32>
    %get3A_2 = arith.constant 0 : index
    %get3A_3 = arith.constant 0 : index
    %get3A_4 = vector.load %arg1[%get3A_2, %get3A_3] : memref<128x128xf32, #tpu.memory_space<vmem>>, vector<128x128xf32>
    %get3A_5 = arith.constant 0 : index
    %get3A_6 = arith.constant 0 : index
    %get3A_7 = vector.load %arg2[%get3A_5, %get3A_6] : memref<128x128xf32, #tpu.memory_space<vmem>>, vector<128x128xf32>
    %iota3A = tpu.iota {dimensions = array<i32: 0>} : vector<128x128xi32>
    %iota3A_8 = tpu.iota {dimensions = array<i32: 1>} : vector<128x128xi32>
    %mul3A = arith.constant 128 : i32
    %mul3A_9 = vector.broadcast %mul3A : i32 to vector<128x128xi32>
    %mul3A_10 = arith.muli %iota3A, %mul3A_9 : vector<128x128xi32>
    %add3A = arith.addi %mul3A_10, %iota3A_8 : vector<128x128xi32>
    %get3A_11 = arith.constant 0 : index
    %get3A_12 = arith.constant 0 : index
    %get3A_13 = vector.load %arg0[%get3A_11, %get3A_12] : memref<128x128xf32, #tpu.memory_space<vmem>>, vector<1x1xf32>
    %get3A_14 = vector.extract %get3A_13[0, 0] : f32 from vector<1x1xf32>
    %get3A_15 = arith.constant 0 : index
    %get3A_16 = arith.constant 0 : index
    %get3A_17 = vector.load %arg1[%get3A_15, %get3A_16] : memref<128x128xf32, #tpu.memory_space<vmem>>, vector<1x1xf32>
    %get3A_18 = vector.extract %get3A_17[0, 0] : f32 from vector<1x1xf32>
    %get3A_19 = arith.constant 0 : index
    %get3A_20 = arith.constant 0 : index
    %get3A_21 = vector.load %arg2[%get3A_19, %get3A_20] : memref<128x128xf32, #tpu.memory_space<vmem>>, vector<1x1xf32>
    %get3A_22 = vector.extract %get3A_21[0, 0] : f32 from vector<1x1xf32>
    %sub3A = vector.broadcast %get3A_14 : f32 to vector<128x128xf32>
    %sub3A_23 = arith.subf %get3A_1, %sub3A : vector<128x128xf32>
    %integer_pow3A = arith.mulf %sub3A_23, %sub3A_23 : vector<128x128xf32>
    %sub3A_24 = vector.broadcast %get3A_18 : f32 to vector<128x128xf32>
    %sub3A_25 = arith.subf %get3A_4, %sub3A_24 : vector<128x128xf32>
    %integer_pow3A_26 = arith.mulf %sub3A_25, %sub3A_25 : vector<128x128xf32>
    %add3A_27 = arith.addf %integer_pow3A, %integer_pow3A_26 : vector<128x128xf32>
    %sub3A_28 = vector.broadcast %get3A_22 : f32 to vector<128x128xf32>
    %sub3A_29 = arith.subf %get3A_7, %sub3A_28 : vector<128x128xf32>
    %integer_pow3A_30 = arith.mulf %sub3A_29, %sub3A_29 : vector<128x128xf32>
    %add3A_31 = arith.addf %add3A_27, %integer_pow3A_30 : vector<128x128xf32>
    %swap3A = arith.constant 0 : index
    %swap3A_32 = arith.constant 0 : index
    %swap3A_33 = vector.load %arg4[%swap3A, %swap3A_32] : memref<128x128xf32, #tpu.memory_space<vmem>>, vector<128x128xf32>
    tpu.vector_store %arg4[%swap3A, %swap3A_32], %add3A_31 {strides = array<i32>} : memref<128x128xf32, #tpu.memory_space<vmem>>, vector<128x128xf32>,
    %broadcast_in_dim3A = arith.constant 0 : i32
    %broadcast_in_dim3A_34 = vector.broadcast %broadcast_in_dim3A : i32 to vector<1x1xi32>
    %swap3A_35 = arith.constant 0 : index
    %swap3A_36 = arith.constant 0 : index
    %swap3A_37 = vector.load %arg3[%swap3A_35, %swap3A_36] : memref<4096x1xi32, #tpu.memory_space<vmem>>, vector<1x1xi32>
    tpu.vector_store %arg3[%swap3A_35, %swap3A_36], %broadcast_in_dim3A_34 {strides = array<i32>} : memref<4096x1xi32, #tpu.memory_space<vmem>>, vector<1x1xi32>,
    %scan3A = arith.constant 1 : i32
    %scan3A_38 = arith.constant 4095 : i32
    %scan3A_39 = arith.addi %scan3A, %scan3A_38 : i32
    %scan3A_40 = arith.constant 1 : i32
    scf.for %scan3A_42 = %scan3A to %scan3A_39 step %scan3A_40  : i32 {
      %get3A_43 = arith.constant 0 : index
      %get3A_44 = arith.constant 0 : index
      %get3A_45 = vector.load %arg4[%get3A_43, %get3A_44] : memref<128x128xf32, #tpu.memory_space<vmem>>, vector<128x128xf32>
      %reduce_max3A = vector.shape_cast %get3A_45 : vector<128x128xf32> to vector<1x128x128xf32>
      %reduce_max3A_46 = arith.constant dense<0xFF800000> : vector<1xf32>
      %reduce_max3A_47 = vector.multi_reduction <maximumf>, %reduce_max3A, %reduce_max3A_46 [1, 2] : vector<1x128x128xf32> to vector<1xf32>
      %reduce_max3A_48 = vector.shape_cast %reduce_max3A_47 : vector<1xf32> to vector<1x1x1xf32>
      %reduce_max3A_49 = vector.extract %reduce_max3A_48[0, 0, 0] : f32 from vector<1x1x1xf32>
      %eq3A = vector.broadcast %reduce_max3A_49 : f32 to vector<128x128xf32>
      %eq3A_50 = arith.cmpf oeq, %get3A_45, %eq3A : vector<128x128xf32>
      %jit3A = arith.constant 1073741824 : i32
      %broadcast_in_dim3A_51 = vector.broadcast %jit3A : i32 to vector<128x128xi32>
      %select_n3A = arith.select %eq3A_50, %add3A, %broadcast_in_dim3A_51 : vector<128x128xi1>, vector<128x128xi32>
      %reduce_min3A = vector.shape_cast %select_n3A : vector<128x128xi32> to vector<1x128x128xi32>
      %reduce_min3A_52 = arith.constant dense<2147483647> : vector<1xi32>
      %reduce_min3A_53 = vector.multi_reduction <minsi>, %reduce_min3A, %reduce_min3A_52 [1, 2] : vector<1x128x128xi32> to vector<1xi32>
      %reduce_min3A_54 = vector.shape_cast %reduce_min3A_53 : vector<1xi32> to vector<1x1x1xi32>
      %reduce_min3A_55 = vector.extract %reduce_min3A_54[0, 0, 0] : i32 from vector<1x1x1xi32>
      %jit3A_56 = arith.constant 128 : i32
      %div3A = arith.divsi %reduce_min3A_55, %jit3A_56 : i32
      %sign3A = arith.constant 0 : i32
      %sign3A_57 = arith.cmpi sgt, %reduce_min3A_55, %sign3A : i32
      %sign3A_58 = arith.extui %sign3A_57 : i1 to i32
      %sign3A_59 = arith.constant 0 : i32
      %sign3A_60 = arith.cmpi slt, %reduce_min3A_55, %sign3A_59 : i32
      %sign3A_61 = arith.extui %sign3A_60 : i1 to i32
      %sign3A_62 = arith.subi %sign3A_58, %sign3A_61 : i32
      %sign3A_63 = arith.constant 0 : i32
      %sign3A_64 = arith.cmpi sgt, %jit3A_56, %sign3A_63 : i32
      %sign3A_65 = arith.extui %sign3A_64 : i1 to i32
      %sign3A_66 = arith.constant 0 : i32
      %sign3A_67 = arith.cmpi slt, %jit3A_56, %sign3A_66 : i32
      %sign3A_68 = arith.extui %sign3A_67 : i1 to i32
      %sign3A_69 = arith.subi %sign3A_65, %sign3A_68 : i32
      %ne3A = arith.cmpi ne, %sign3A_62, %sign3A_69 : i32
      %rem3A = arith.remsi %reduce_min3A_55, %jit3A_56 : i32
      %ne3A_70 = arith.constant 0 : i32
      %ne3A_71 = arith.cmpi ne, %rem3A, %ne3A_70 : i32
      %and3A = arith.andi %ne3A, %ne3A_71 : i1
      %sub3A_72 = arith.constant 1 : i32
      %sub3A_73 = arith.subi %div3A, %sub3A_72 : i32
      %select_n3A_74 = arith.select %and3A, %sub3A_73, %div3A : i32
      %mul3A_75 = arith.constant 128 : i32
      %mul3A_76 = arith.muli %select_n3A_74, %mul3A_75 : i32
      %sub3A_77 = arith.subi %reduce_min3A_55, %mul3A_76 : i32
      %iota3A_78 = tpu.iota {dimensions = array<i32: 1>} : vector<1x128xi32>
      %eq3A_79 = vector.broadcast %sub3A_77 : i32 to vector<1x128xi32>
      %eq3A_80 = arith.cmpi eq, %iota3A_78, %eq3A_79 : vector<1x128xi32>
      %get3A_81 = arith.index_cast %select_n3A_74 : i32 to index
      %get3A_82 = arith.constant 0 : index
      %get3A_83 = vector.load %arg0[%get3A_81, %get3A_82] : memref<128x128xf32, #tpu.memory_space<vmem>>, vector<1x128xf32>
      %jit3A_84 = arith.constant 0.000000e+00 : f32
      %broadcast_in_dim3A_85 = vector.broadcast %jit3A_84 : f32 to vector<1x128xf32>
      %select_n3A_86 = arith.select %eq3A_80, %get3A_83, %broadcast_in_dim3A_85 : vector<1x128xi1>, vector<1x128xf32>
      %reduce_sum3A = vector.shape_cast %select_n3A_86 : vector<1x128xf32> to vector<1x1x128xf32>
      %reduce_sum3A_87 = arith.constant dense<0.000000e+00> : vector<1xf32>
      %reduce_sum3A_88 = vector.multi_reduction <add>, %reduce_sum3A, %reduce_sum3A_87 [1, 2] : vector<1x1x128xf32> to vector<1xf32>
      %reduce_sum3A_89 = vector.shape_cast %reduce_sum3A_88 : vector<1xf32> to vector<1x1x1xf32>
      %reduce_sum3A_90 = vector.extract %reduce_sum3A_89[0, 0, 0] : f32 from vector<1x1x1xf32>
      %get3A_91 = arith.index_cast %select_n3A_74 : i32 to index
      %get3A_92 = arith.constant 0 : index
      %get3A_93 = vector.load %arg1[%get3A_91, %get3A_92] : memref<128x128xf32, #tpu.memory_space<vmem>>, vector<1x128xf32>
      %jit3A_94 = arith.constant 0.000000e+00 : f32
      %broadcast_in_dim3A_95 = vector.broadcast %jit3A_94 : f32 to vector<1x128xf32>
      %select_n3A_96 = arith.select %eq3A_80, %get3A_93, %broadcast_in_dim3A_95 : vector<1x128xi1>, vector<1x128xf32>
      %reduce_sum3A_97 = vector.shape_cast %select_n3A_96 : vector<1x128xf32> to vector<1x1x128xf32>
      %reduce_sum3A_98 = arith.constant dense<0.000000e+00> : vector<1xf32>
      %reduce_sum3A_99 = vector.multi_reduction <add>, %reduce_sum3A_97, %reduce_sum3A_98 [1, 2] : vector<1x1x128xf32> to vector<1xf32>
      %reduce_sum3A_100 = vector.shape_cast %reduce_sum3A_99 : vector<1xf32> to vector<1x1x1xf32>
      %reduce_sum3A_101 = vector.extract %reduce_sum3A_100[0, 0, 0] : f32 from vector<1x1x1xf32>
      %get3A_102 = arith.index_cast %select_n3A_74 : i32 to index
      %get3A_103 = arith.constant 0 : index
      %get3A_104 = vector.load %arg2[%get3A_102, %get3A_103] : memref<128x128xf32, #tpu.memory_space<vmem>>, vector<1x128xf32>
      %jit3A_105 = arith.constant 0.000000e+00 : f32
      %broadcast_in_dim3A_106 = vector.broadcast %jit3A_105 : f32 to vector<1x128xf32>
      %select_n3A_107 = arith.select %eq3A_80, %get3A_104, %broadcast_in_dim3A_106 : vector<1x128xi1>, vector<1x128xf32>
      %reduce_sum3A_108 = vector.shape_cast %select_n3A_107 : vector<1x128xf32> to vector<1x1x128xf32>
      %reduce_sum3A_109 = arith.constant dense<0.000000e+00> : vector<1xf32>
      %reduce_sum3A_110 = vector.multi_reduction <add>, %reduce_sum3A_108, %reduce_sum3A_109 [1, 2] : vector<1x1x128xf32> to vector<1xf32>
      %reduce_sum3A_111 = vector.shape_cast %reduce_sum3A_110 : vector<1xf32> to vector<1x1x1xf32>
      %reduce_sum3A_112 = vector.extract %reduce_sum3A_111[0, 0, 0] : f32 from vector<1x1x1xf32>
      %sub3A_113 = vector.broadcast %reduce_sum3A_90 : f32 to vector<128x128xf32>
      %sub3A_114 = arith.subf %get3A_1, %sub3A_113 : vector<128x128xf32>
      %integer_pow3A_115 = arith.mulf %sub3A_114, %sub3A_114 : vector<128x128xf32>
      %sub3A_116 = vector.broadcast %reduce_sum3A_101 : f32 to vector<128x128xf32>
      %sub3A_117 = arith.subf %get3A_4, %sub3A_116 : vector<128x128xf32>
      %integer_pow3A_118 = arith.mulf %sub3A_117, %sub3A_117 : vector<128x128xf32>
      %add3A_119 = arith.addf %integer_pow3A_115, %integer_pow3A_118 : vector<128x128xf32>
      %sub3A_120 = vector.broadcast %reduce_sum3A_112 : f32 to vector<128x128xf32>
      %sub3A_121 = arith.subf %get3A_7, %sub3A_120 : vector<128x128xf32>
      %integer_pow3A_122 = arith.mulf %sub3A_121, %sub3A_121 : vector<128x128xf32>
      %add3A_123 = arith.addf %add3A_119, %integer_pow3A_122 : vector<128x128xf32>
      %min3A = arith.minimumf %get3A_45, %add3A_123 : vector<128x128xf32>
      %swap3A_124 = arith.constant 0 : index
      %swap3A_125 = arith.constant 0 : index
      %swap3A_126 = vector.load %arg4[%swap3A_124, %swap3A_125] : memref<128x128xf32, #tpu.memory_space<vmem>>, vector<128x128xf32>
      tpu.vector_store %arg4[%swap3A_124, %swap3A_125], %min3A {strides = array<i32>} : memref<128x128xf32, #tpu.memory_space<vmem>>, vector<128x128xf32>,
      %reshape3A = vector.broadcast %reduce_min3A_55 : i32 to vector<1x1xi32>
      %swap3A_127 = arith.index_cast %scan3A_42 : i32 to index
      %swap3A_128 = arith.constant 0 : index
      %swap3A_129 = vector.load %arg3[%swap3A_127, %swap3A_128] : memref<4096x1xi32, #tpu.memory_space<vmem>>, vector<1x1xi32>
      tpu.vector_store %arg3[%swap3A_127, %swap3A_128], %reshape3A {strides = array<i32>} : memref<4096x1xi32, #tpu.memory_space<vmem>>, vector<1x1xi32>,
    }
    %scan3A_41 = arith.constant 4095 : i32
    return
  }
}

module attributes {stable_mosaic.version = 14 : i64} {
  func.func @_feat_body(%arg0: i32, %arg1: memref<1024x128xf32, #tpu.memory_space<vmem>>, %arg2: memref<256x128xf32, #tpu.memory_space<vmem>>, %arg3: memref<128x64xf32, #tpu.memory_space<vmem>>, %arg4: memref<1x64xf32, #tpu.memory_space<vmem>>, %arg5: memref<1024x64xf32, #tpu.memory_space<vmem>>, %arg6: memref<256x64xf32, #tpu.memory_space<vmem>>) attributes {dimension_semantics = [#tpu.dimension_semantics<arbitrary>], iteration_bounds = array<i64: 16>, scalar_prefetch = 0 : i64, scratch_operands = 0 : i64, tpu.core_type = #tpu.core_type<tc>, window_params = [{transform_indices = @transform_0, window_bounds = array<i64: 1024, 128>}, {transform_indices = @transform_1, window_bounds = array<i64: 256, 128>}, {pipeline_mode = #tpu.pipeline_mode<synchronous>, transform_indices = @transform_2, window_bounds = array<i64: 128, 64>}, {pipeline_mode = #tpu.pipeline_mode<synchronous>, transform_indices = @transform_3, window_bounds = array<i64: 1, 64>}, {transform_indices = @transform_4, window_bounds = array<i64: 1024, 64>}, {transform_indices = @transform_5, window_bounds = array<i64: 256, 64>}]} {
    %get3A = arith.constant 0 : index
    %get3A_0 = arith.constant 0 : index
    %get3A_1 = vector.load %arg3[%get3A, %get3A_0] : memref<128x64xf32, #tpu.memory_space<vmem>>, vector<128x64xf32>
    %convert_element_type3A = arith.truncf %get3A_1 : vector<128x64xf32> to vector<128x64xbf16>
    %convert_element_type3A_2 = arith.extf %convert_element_type3A : vector<128x64xbf16> to vector<128x64xf32>
    %get3A_3 = arith.constant 0 : index
    %get3A_4 = arith.constant 0 : index
    %get3A_5 = vector.load %arg1[%get3A_3, %get3A_4] : memref<1024x128xf32, #tpu.memory_space<vmem>>, vector<1024x128xf32>
    %convert_element_type3A_6 = arith.truncf %get3A_5 : vector<1024x128xf32> to vector<1024x128xbf16>
    %convert_element_type3A_7 = arith.extf %convert_element_type3A_6 : vector<1024x128xbf16> to vector<1024x128xf32>
    %dot_general3A = arith.constant dense<0.000000e+00> : vector<1024x64xf32>
    %dot_general3A_8 = tpu.matmul %convert_element_type3A_7, %convert_element_type3A_2, %dot_general3A {dimension_numbers = #tpu.dot_dimension_numbers<[1], [0], [0], [1], [0, 0, 1, 1], [], []>, transpose_lhs_hint = false} : vector<1024x128xf32>, vector<128x64xf32>, vector<1024x64xf32> -> vector<1024x64xf32>
    %get3A_9 = arith.constant 0 : index
    %get3A_10 = arith.constant 0 : index
    %get3A_11 = vector.load %arg4[%get3A_9, %get3A_10] : memref<1x64xf32, #tpu.memory_space<vmem>>, vector<1x64xf32>
    %add3A = vector.broadcast %get3A_11 : vector<1x64xf32> to vector<1024x64xf32>
    %add3A_12 = arith.addf %dot_general3A_8, %add3A : vector<1024x64xf32>
    %swap3A = arith.constant 0 : index
    %swap3A_13 = arith.constant 0 : index
    %swap3A_14 = vector.load %arg5[%swap3A, %swap3A_13] : memref<1024x64xf32, #tpu.memory_space<vmem>>, vector<1024x64xf32>
    tpu.vector_store %arg5[%swap3A, %swap3A_13], %add3A_12 {strides = array<i32>} : memref<1024x64xf32, #tpu.memory_space<vmem>>, vector<1024x64xf32>,
    %get3A_15 = arith.constant 0 : index
    %get3A_16 = arith.constant 0 : index
    %get3A_17 = vector.load %arg2[%get3A_15, %get3A_16] : memref<256x128xf32, #tpu.memory_space<vmem>>, vector<256x128xf32>
    %convert_element_type3A_18 = arith.truncf %get3A_17 : vector<256x128xf32> to vector<256x128xbf16>
    %convert_element_type3A_19 = arith.extf %convert_element_type3A_18 : vector<256x128xbf16> to vector<256x128xf32>
    %dot_general3A_20 = arith.constant dense<0.000000e+00> : vector<256x64xf32>
    %dot_general3A_21 = tpu.matmul %convert_element_type3A_19, %convert_element_type3A_2, %dot_general3A_20 {dimension_numbers = #tpu.dot_dimension_numbers<[1], [0], [0], [1], [0, 0, 1, 1], [], []>, transpose_lhs_hint = false} : vector<256x128xf32>, vector<128x64xf32>, vector<256x64xf32> -> vector<256x64xf32>
    %swap3A_22 = arith.constant 0 : index
    %swap3A_23 = arith.constant 0 : index
    %swap3A_24 = vector.load %arg6[%swap3A_22, %swap3A_23] : memref<256x64xf32, #tpu.memory_space<vmem>>, vector<256x64xf32>
    tpu.vector_store %arg6[%swap3A_22, %swap3A_23], %dot_general3A_21 {strides = array<i32>} : memref<256x64xf32, #tpu.memory_space<vmem>>, vector<256x64xf32>,
    return
  }
  func.func @transform_0(%arg0: i32) -> (i32, i32) {
    %c0_i32 = arith.constant 0 : i32
    %c0_i32_0 = arith.constant 0 : i32
    return %arg0, %c0_i32 : i32, i32
  }
  func.func @transform_1(%arg0: i32) -> (i32, i32) {
    %c0_i32 = arith.constant 0 : i32
    %c0_i32_0 = arith.constant 0 : i32
    return %arg0, %c0_i32 : i32, i32
  }
  func.func @transform_2(%arg0: i32) -> (i32, i32) {
    %c0_i32 = arith.constant 0 : i32
    %c0_i32_0 = arith.constant 0 : i32
    %c0_i32_1 = arith.constant 0 : i32
    return %c0_i32, %c0_i32_0 : i32, i32
  }
  func.func @transform_3(%arg0: i32) -> (i32, i32) {
    %c0_i32 = arith.constant 0 : i32
    %c0_i32_0 = arith.constant 0 : i32
    %c0_i32_1 = arith.constant 0 : i32
    return %c0_i32, %c0_i32_0 : i32, i32
  }
  func.func @transform_4(%arg0: i32) -> (i32, i32) {
    %c0_i32 = arith.constant 0 : i32
    %c0_i32_0 = arith.constant 0 : i32
    return %arg0, %c0_i32 : i32, i32
  }
  func.func @transform_5(%arg0: i32) -> (i32, i32) {
    %c0_i32 = arith.constant 0 : i32
    %c0_i32_0 = arith.constant 0 : i32
    return %arg0, %c0_i32 : i32, i32
  }
}

module attributes {stable_mosaic.version = 14 : i64} {
  func.func @_conv_body(%arg0: i32, %arg1: memref<2048x64xf32, #tpu.memory_space<vmem>>, %arg2: memref<32x64xf32, #tpu.memory_space<vmem>>, %arg3: memref<2048x1xi32, #tpu.memory_space<vmem>>, %arg4: memref<64x128xf32, #tpu.memory_space<vmem>>, %arg5: memref<1x128xf32, #tpu.memory_space<vmem>>, %arg6: memref<32x128xf32, #tpu.memory_space<vmem>>) attributes {dimension_semantics = [#tpu.dimension_semantics<arbitrary>], iteration_bounds = array<i64: 128>, scalar_prefetch = 0 : i64, scratch_operands = 0 : i64, tpu.core_type = #tpu.core_type<tc>, window_params = [{transform_indices = @transform_0, window_bounds = array<i64: 2048, 64>}, {transform_indices = @transform_1, window_bounds = array<i64: 32, 64>}, {transform_indices = @transform_2, window_bounds = array<i64: 2048, 1>}, {pipeline_mode = #tpu.pipeline_mode<synchronous>, transform_indices = @transform_3, window_bounds = array<i64: 64, 128>}, {pipeline_mode = #tpu.pipeline_mode<synchronous>, transform_indices = @transform_4, window_bounds = array<i64: 1, 128>}, {transform_indices = @transform_5, window_bounds = array<i64: 32, 128>}]} {
    %get3A = arith.constant 0 : index
    %get3A_0 = arith.constant 0 : index
    %get3A_1 = vector.load %arg1[%get3A, %get3A_0] : memref<2048x64xf32, #tpu.memory_space<vmem>>, vector<2048x64xf32>
    %reshape3A = vector.shape_cast %get3A_1 : vector<2048x64xf32> to vector<32x64x64xf32>
    %get3A_2 = arith.constant 0 : index
    %get3A_3 = arith.constant 0 : index
    %get3A_4 = vector.load %arg2[%get3A_2, %get3A_3] : memref<32x64xf32, #tpu.memory_space<vmem>>, vector<32x64xf32>
    %broadcast_in_dim3A = vector.shape_cast %get3A_4 : vector<32x64xf32> to vector<32x1x64xf32>
    %sub3A = vector.broadcast %broadcast_in_dim3A : vector<32x1x64xf32> to vector<32x64x64xf32>
    %sub3A_5 = arith.subf %reshape3A, %sub3A : vector<32x64x64xf32>
    %max3A = arith.constant 0.000000e+00 : f32
    %max3A_6 = vector.broadcast %max3A : f32 to vector<32x64x64xf32>
    %max3A_7 = arith.maximumf %sub3A_5, %max3A_6 : vector<32x64x64xf32>
    %reshape3A_8 = vector.shape_cast %max3A_7 : vector<32x64x64xf32> to vector<2048x64xf32>
    %convert_element_type3A = arith.truncf %reshape3A_8 : vector<2048x64xf32> to vector<2048x64xbf16>
    %convert_element_type3A_9 = arith.extf %convert_element_type3A : vector<2048x64xbf16> to vector<2048x64xf32>
    %get3A_10 = arith.constant 0 : index
    %get3A_11 = arith.constant 0 : index
    %get3A_12 = vector.load %arg4[%get3A_10, %get3A_11] : memref<64x128xf32, #tpu.memory_space<vmem>>, vector<64x128xf32>
    %convert_element_type3A_13 = arith.truncf %get3A_12 : vector<64x128xf32> to vector<64x128xbf16>
    %convert_element_type3A_14 = arith.extf %convert_element_type3A_13 : vector<64x128xbf16> to vector<64x128xf32>
    %dot_general3A = arith.constant dense<0.000000e+00> : vector<2048x128xf32>
    %dot_general3A_15 = tpu.matmul %convert_element_type3A_9, %convert_element_type3A_14, %dot_general3A {dimension_numbers = #tpu.dot_dimension_numbers<[1], [0], [0], [1], [0, 0, 1, 1], [], []>, transpose_lhs_hint = false} : vector<2048x64xf32>, vector<64x128xf32>, vector<2048x128xf32> -> vector<2048x128xf32>
    %get3A_16 = arith.constant 0 : index
    %get3A_17 = arith.constant 0 : index
    %get3A_18 = vector.load %arg5[%get3A_16, %get3A_17] : memref<1x128xf32, #tpu.memory_space<vmem>>, vector<1x128xf32>
    %add3A = vector.broadcast %get3A_18 : vector<1x128xf32> to vector<2048x128xf32>
    %add3A_19 = arith.addf %dot_general3A_15, %add3A : vector<2048x128xf32>
    %max3A_20 = arith.constant 0.000000e+00 : f32
    %max3A_21 = vector.broadcast %max3A_20 : f32 to vector<2048x128xf32>
    %max3A_22 = arith.maximumf %add3A_19, %max3A_21 : vector<2048x128xf32>
    %iota3A = tpu.iota {dimensions = array<i32: 0>} : vector<2048x1xi32>
    %jit3A = arith.constant 64 : i32
    %div3A = vector.broadcast %jit3A : i32 to vector<2048x1xi32>
    %div3A_23 = arith.divsi %iota3A, %div3A : vector<2048x1xi32>
    %sign3A = arith.constant 0 : i32
    %sign3A_24 = vector.broadcast %sign3A : i32 to vector<2048x1xi32>
    %sign3A_25 = arith.cmpi sgt, %iota3A, %sign3A_24 : vector<2048x1xi32>
    %sign3A_26 = arith.extui %sign3A_25 : vector<2048x1xi1> to vector<2048x1xi32>
    %sign3A_27 = arith.constant 0 : i32
    %sign3A_28 = vector.broadcast %sign3A_27 : i32 to vector<2048x1xi32>
    %sign3A_29 = arith.cmpi slt, %iota3A, %sign3A_28 : vector<2048x1xi32>
    %sign3A_30 = arith.extui %sign3A_29 : vector<2048x1xi1> to vector<2048x1xi32>
    %sign3A_31 = arith.subi %sign3A_26, %sign3A_30 : vector<2048x1xi32>
    %sign3A_32 = arith.constant 0 : i32
    %sign3A_33 = arith.cmpi sgt, %jit3A, %sign3A_32 : i32
    %sign3A_34 = arith.extui %sign3A_33 : i1 to i32
    %sign3A_35 = arith.constant 0 : i32
    %sign3A_36 = arith.cmpi slt, %jit3A, %sign3A_35 : i32
    %sign3A_37 = arith.extui %sign3A_36 : i1 to i32
    %sign3A_38 = arith.subi %sign3A_34, %sign3A_37 : i32
    %ne3A = vector.broadcast %sign3A_38 : i32 to vector<2048x1xi32>
    %ne3A_39 = arith.cmpi ne, %sign3A_31, %ne3A : vector<2048x1xi32>
    %rem3A = vector.broadcast %jit3A : i32 to vector<2048x1xi32>
    %rem3A_40 = arith.remsi %iota3A, %rem3A : vector<2048x1xi32>
    %ne3A_41 = arith.constant 0 : i32
    %ne3A_42 = vector.broadcast %ne3A_41 : i32 to vector<2048x1xi32>
    %ne3A_43 = arith.cmpi ne, %rem3A_40, %ne3A_42 : vector<2048x1xi32>
    %and3A = arith.andi %ne3A_39, %ne3A_43 : vector<2048x1xi1>
    %sub3A_44 = arith.constant 1 : i32
    %sub3A_45 = vector.broadcast %sub3A_44 : i32 to vector<2048x1xi32>
    %sub3A_46 = arith.subi %div3A_23, %sub3A_45 : vector<2048x1xi32>
    %select_n3A = arith.select %and3A, %sub3A_46, %div3A_23 : vector<2048x1xi1>, vector<2048x1xi32>
    %mul3A = arith.constant 64 : i32
    %mul3A_47 = vector.broadcast %mul3A : i32 to vector<2048x1xi32>
    %mul3A_48 = arith.muli %mul3A_47, %select_n3A : vector<2048x1xi32>
    %sub3A_49 = arith.subi %iota3A, %mul3A_48 : vector<2048x1xi32>
    %get3A_50 = arith.constant 0 : index
    %get3A_51 = arith.constant 0 : index
    %get3A_52 = vector.load %arg3[%get3A_50, %get3A_51] : memref<2048x1xi32, #tpu.memory_space<vmem>>, vector<2048x1xi32>
    %lt3A = arith.cmpi slt, %sub3A_49, %get3A_52 : vector<2048x1xi32>
    %neg3A = arith.constant 0.000000e+00 : f32
    %neg3A_53 = arith.constant 3.000000e+38 : f32
    %neg3A_54 = arith.subf %neg3A, %neg3A_53 : f32
    %jit3A_55 = arith.constant 0.000000e+00 : f32
    %broadcast_in_dim3A_56 = vector.broadcast %jit3A_55 : f32 to vector<2048x1xf32>
    %broadcast_in_dim3A_57 = vector.broadcast %neg3A_54 : f32 to vector<2048x1xf32>
    %select_n3A_58 = arith.select %lt3A, %broadcast_in_dim3A_56, %broadcast_in_dim3A_57 : vector<2048x1xi1>, vector<2048x1xf32>
    %add3A_59 = vector.broadcast %select_n3A_58 : vector<2048x1xf32> to vector<2048x128xf32>
    %add3A_60 = arith.addf %max3A_22, %add3A_59 : vector<2048x128xf32>
    %reshape3A_61 = vector.shape_cast %add3A_60 : vector<2048x128xf32> to vector<32x64x128xf32>
    %reduce_max3A = arith.constant dense<0xFF800000> : vector<32x128xf32>
    %reduce_max3A_62 = vector.multi_reduction <maximumf>, %reshape3A_61, %reduce_max3A [1] : vector<32x64x128xf32> to vector<32x128xf32>
    %swap3A = arith.constant 0 : index
    %swap3A_63 = arith.constant 0 : index
    %swap3A_64 = vector.load %arg6[%swap3A, %swap3A_63] : memref<32x128xf32, #tpu.memory_space<vmem>>, vector<32x128xf32>
    tpu.vector_store %arg6[%swap3A, %swap3A_63], %reduce_max3A_62 {strides = array<i32>} : memref<32x128xf32, #tpu.memory_space<vmem>>, vector<32x128xf32>,
    return
  }
  func.func @transform_0(%arg0: i32) -> (i32, i32) {
    %c0_i32 = arith.constant 0 : i32
    %c0_i32_0 = arith.constant 0 : i32
    return %arg0, %c0_i32 : i32, i32
  }
  func.func @transform_1(%arg0: i32) -> (i32, i32) {
    %c0_i32 = arith.constant 0 : i32
    %c0_i32_0 = arith.constant 0 : i32
    return %arg0, %c0_i32 : i32, i32
  }
  func.func @transform_2(%arg0: i32) -> (i32, i32) {
    %c0_i32 = arith.constant 0 : i32
    %c0_i32_0 = arith.constant 0 : i32
    return %arg0, %c0_i32 : i32, i32
  }
  func.func @transform_3(%arg0: i32) -> (i32, i32) {
    %c0_i32 = arith.constant 0 : i32
    %c0_i32_0 = arith.constant 0 : i32
    %c0_i32_1 = arith.constant 0 : i32
    return %c0_i32, %c0_i32_0 : i32, i32
  }
  func.func @transform_4(%arg0: i32) -> (i32, i32) {
    %c0_i32 = arith.constant 0 : i32
    %c0_i32_0 = arith.constant 0 : i32
    %c0_i32_1 = arith.constant 0 : i32
    return %c0_i32, %c0_i32_0 : i32, i32
  }
  func.func @transform_5(%arg0: i32) -> (i32, i32) {
    %c0_i32 = arith.constant 0 : i32
    %c0_i32_0 = arith.constant 0 : i32
    return %arg0, %c0_i32 : i32, i32
  }
}

</mosaic_0001>

<sc_bundles>
// kernel: gather_offload_async_start.1
scs
__scs_entry_jumppad:
0x0: {  	(pc) =	sbr.rel $0x88, $3  }
0x1: {  	(tag) =	ssettag $0x0;
	lr =	simm.s32 $0x1  }
0x2: {  	[smem:$0x3F9A] =	sst lr;
	_ =	strace $0xD0000000  }
0x3: {  	_ = 	snop  }
0x4: {  	_ = 	snop  }
0x5: {  	_ = 	snop  }
0x6: {  	_ = 	snop  }
0x7: {  	_ = 	snop  }
__scs_overlays_trampoline_lowered:
0x8: {  	[smem:$0x3FA9] =	sst s0  }
0x9: {  	[smem:$0x3FAA] =	sst s1  }
0xa: {  	[smem:$0x3FAB] =	sst s2  }
0xb: {  	[smem:$0x3FAC] =	sst s3  }
0xc: {  	[smem:$0x3FAD] =	sst s4  }
0xd: {  	[smem:$0x3FAE] =	sst s5  }
0xe: {  	[smem:$0x3FAF] =	sst s6  }
0xf: {  	[smem:$0x3FB0] =	sst s7  }
0x10: {  	[smem:$0x3FB1] =	sst s8  }
0x11: {  	[smem:$0x3FB2] =	sst s9;
	s0 =	simm.s32 @!p0 $0x0  }
0x12: {  	s1 =	sld [smem:$0x3F98];
	s0 =	simm.s32 @p0 $0x1  }
0x13: {  	[smem:$0x3FB3] =	sst s0;
	s0 =	simm.s32 @!p1 $0x0  }
0x14: {  	s2 =	sld [smem:$0x3F97];
	s0 =	simm.s32 @p1 $0x1  }
0x15: {  	[smem:$0x3FB4] =	sst s0;
	s0 =	simm.s32 @!p2 $0x0  }
0x16: {  	s3 =	sld [smem:$0x3FDB];
	s0 =	simm.s32 @p2 $0x1  }
0x17: {  	s4 =	simm.s32 $0x1BF5;
	[smem:$0x3FB6] =	sst s0  }
0x18: {  	s0 =	sld [smem:$0x3F99];
	_ =	swait.ge [sflag:s4], $0x0  }
0x19: {  	s7 =	sld [smem:$0x3F9A]  }
0x1a: {  	s8 =	sadd.s32 $0xFFFFE003, lr  }
0x1b: {  	s9 =	sadd.s32 $0xFFFFFEF7, lr;
	s5 =	simm.s32 $0xFFFFFFFF;
	p2 =	slt.u32 s8, $0xFFFFF086  }
0x1c: {  	p1 =	slt.u32 s9, $0xF7A;
	s5 =	simm.s32 @!p2 $0x0  }
0x1d: {  	s5 =	simm.s32 @p1 $0x1;
	p0 =	seq.s32 s7, s2  }
0x1e: {  	s7 =	smul.u32 @!p0 $0xF7A, s2;
	p2 =	seq.s32 @!p0 s5, $0x0  }
0x1f: {  	s9 =	smul.u32 $0xF7A, s1;
	s8 =	simm.s32 @!p0 $0x1BF5;
	p2 =	por !p2, p0  }
0x20: {  	[sflag:s8] =	ssyncset.s32 @!p0 $0xFFFFF086;
	s6 =	sadd.s32 @!p0 s3, s7;
	s7 =	simm.s32 @!p0 $0x108  }
0x21: {  	s3 =	sadd.s32 s3, s9;
	s6 =	sadd.s32 @!p0 $0x88, s6;
	s7 =	simm.s32 @p2 $0x1082  }
0x22: {  	[simem:s7], [sflag:s8] =	dma.local @!p0 [hbm:s6], $0xF7A  }
0x23: {  	s9 =	sor.u32 $0xD0000000, s2;
	s6 =	simm.s32 $0x108;
	_ =	swait.ge @!p0 [sflag:s8], $0x0  }
0x24: {  	s3 =	sadd.s32 $0x88, s3;
	s6 =	simm.s32 @!p1 $0x1082;
	[sflag:s4] =	ssyncset.s32 $0xFFFFF086  }
0x25: {  	[simem:s6], [sflag:s4] =	dma.local [hbm:s3], $0xF7A  }
0x26: {  	[smem:$0x3F9A] =	sst s1;
	(tag) =	ssettag s2;
	_ =	strace s9  }
0x27: {  	s1 =	sld [smem:$0x3FAA]  }
0x28: {  	s2 =	sld [smem:$0x3FAB]  }
0x29: {  	s4 =	sld [smem:$0x3FAD]  }
0x2a: {  	p0 =	seq.s32 s5, $0x0;
	s5 =	sld [smem:$0x3FAE]  }
0x2b: {  	s6 =	sld [smem:$0x3FAF]  }
0x2c: {  	s7 =	sld [smem:$0x3FB0]  }
0x2d: {  	s3 =	simm.s32 $0x108;
	s8 =	sld [smem:$0x3FB1]  }
0x2e: {  	s3 =	simm.s32 @!p0 $0x1082;
	s9 =	sld [smem:$0x3FB2]  }
0x2f: {  	lr =	sadd.s32 s0, s3;
	s0 =	sld [smem:$0x3FA9]  }
0x30: {  	s3 =	sld [smem:$0x3FAC]  }
0x31: {  	[smem:$0x3FB5] =	sst s10  }
0x32: {  	s10 =	sld [smem:$0x3FB3];
	_ =	sdelay $0x3  }
0x33: {  	p0 =	seq.s32 s10, $0x1;
	s10 =	sld [smem:$0x3FB5];
	_ =	sdelay $0x3  }
0x34: {  	[smem:$0x3FB5] =	sst s10  }
0x35: {  	s10 =	sld [smem:$0x3FB4];
	_ =	sdelay $0x3  }
0x36: {  	p1 =	seq.s32 s10, $0x1;
	s10 =	sld [smem:$0x3FB5];
	_ =	sdelay $0x3  }
0x37: {  	[smem:$0x3FB5] =	sst s10  }
0x38: {  	s10 =	sld [smem:$0x3FB6]  }
0x39: {  	_ = 	snop;
	(pc) =	sbr.ind lr, $3  }
0x3a: {  	_ = 	snop  }
0x3b: {  	_ = 	snop  }
0x3c: {  	p2 =	seq.s32 s10, $0x1;
	s10 =	sld [smem:$0x3FB5]  }
0x3d: {  	_ =	shalt  }
0x3e: {  	_ =	shalt  }
0x3f: {  	_ =	shalt  }
0x40: {  	_ =	shalt  }
0x41: {  	_ =	shalt  }
0x42: {  	_ =	shalt  }
0x43: {  	_ =	shalt  }
0x44: {  	_ =	shalt  }
0x45: {  	_ =	shalt  }
0x46: {  	_ =	shalt  }
0x47: {  	_ =	shalt  }
0x48: {  	_ =	shalt  }
0x49: {  	_ =	shalt  }
0x4a: {  	_ =	shalt  }
0x4b: {  	_ =	shalt  }
0x4c: {  	_ =	shalt  }
0x4d: {  	_ =	shalt  }
0x4e: {  	_ =	shalt  }
0x4f: {  	_ =	shalt  }
0x50: {  	_ =	shalt  }
0x51: {  	_ =	shalt  }
0x52: {  	_ =	shalt  }
0x53: {  	_ =	shalt  }
0x54: {  	_ =	shalt  }
0x55: {  	_ =	shalt  }
0x56: {  	_ =	shalt  }
0x57: {  	_ =	shalt  }
0x58: {  	_ =	shalt  }
0x59: {  	_ =	shalt  }
0x5a: {  	_ =	shalt  }
0x5b: {  	_ =	shalt  }
0x5c: {  	_ =	shalt  }
0x5d: {  	_ =	shalt  }
0x5e: {  	_ =	shalt  }
0x5f: {  	_ =	shalt  }
0x60: {  	_ =	shalt  }
0x61: {  	_ =	shalt  }
0x62: {  	_ =	shalt  }
0x63: {  	_ =	shalt  }
0x64: {  	_ =	shalt  }
0x65: {  	_ =	shalt  }
0x66: {  	_ =	shalt  }
0x67: {  	_ =	shalt  }
0x68: {  	_ =	shalt  }
0x69: {  	_ =	shalt  }
0x6a: {  	_ =	shalt  }
0x6b: {  	_ =	shalt  }
0x6c: {  	_ =	shalt  }
0x6d: {  	_ =	shalt  }
0x6e: {  	_ =	shalt  }
0x6f: {  	_ =	shalt  }
0x70: {  	_ =	shalt  }
0x71: {  	_ =	shalt  }
0x72: {  	_ =	shalt  }
0x73: {  	_ =	shalt  }
0x74: {  	_ =	shalt  }
0x75: {  	_ =	shalt  }
0x76: {  	_ =	shalt  }
0x77: {  	_ =	shalt  }
0x78: {  	_ =	shalt  }
0x79: {  	_ =	shalt  }
0x7a: {  	_ =	shalt  }
0x7b: {  	_ =	shalt  }
0x7c: {  	_ =	shalt  }
0x7d: {  	_ =	shalt  }
0x7e: {  	_ =	shalt  }
0x7f: {  	_ =	shalt  }
0x80: {  	_ =	shalt  }
0x81: {  	_ =	shalt  }
0x82: {  	_ =	shalt  }
0x83: {  	_ =	shalt  }
0x84: {  	_ =	shalt  }
0x85: {  	_ =	shalt  }
0x86: {  	_ =	shalt  }
0x87: {  	_ =	shalt  }
.Lfunc_end0:
.L_simem_size_0:
called_computation.1_lowered:
.L_overlay_start_0:
0x88: {  	s2 =	sld [smem:$0x3FD9]  }
0x89: {  	s3 =	sld [smem:$0x3FFE];
	_ =	sdelay $0x1  }
0x8a: {  	s1 =	srdreg.scid  }
0x8b: {  	s0 =	sand.u32 $0x1, s1  }
0x8c: {  	s15 =	sshll.u32 s0, $0xA;
	s2 =	sadd.s32 s3, s2  }
0x8d: {  	s2 =	sadd.s32 s2, s15  }
0x8e: {  	[smem:$0x3FC1] =	sst s2  }
0x8f: {  	_ = 	snop  }
0x90: {  	s16 =	sld [smem:$0x3FD0];
	_ =	sdelay $0x2  }
0x91: {  	s4 =	simm.s32 $0xB;
	s5 =	simm.s32 $0x10;
	s2 =	sld [smem:$0x3FC7]  }
0x92: {  	[smem:s5], [sflag:s4] =	dma.local [hbm:s16], $0x1  }
0x93: {  	_ =	swait.eq [sflag:s4], $0x1  }
0x94: {  	[sflag:s4] =	ssyncset.done $0x0  }
0x95: {  	[sflag:s4] =	ssyncadd.s32 $0xFFFFFFFF  }
0x96: {  	s17 =	sld [smem:$0x12];
	(tm) =	ssettm $0x1  }
0x97: {  	s18 =	sld [smem:$0x3FFB];
	_ =	sdelay $0x3  }
0x98: {  	_ =	strace s18  }
0x99: {  	s3 =	sld [smem:$0x3FFC];
	_ =	sdelay $0x3  }
0x9a: {  	_ =	strace s3  }
0x9b: {  	s3 =	sld [smem:$0x3FFD];
	_ =	sdelay $0x3  }
0x9c: {  	_ =	strace s3  }
0x9d: {  	_ =	strace $0x8FFFFFFF  }
0x9e: {  	s19 =	sld [smem:$0x3FDB];
	_ =	sdelay $0x1  }
0x9f: {  	s20 =	simm.s32 $_scs_section_size  }
0xa0: {  	s6 =	simm.s32 $_size__tile_overlayer_lowered;
	s7 =	simm.s32 $_tile_overlayer_lowered  }
0xa1: {  	s8 =	simm.s32 $0x1BFF;
	s21 =	sshll.u32 s7, $0x1;
	s5 =	sadd.s32 s20, s19  }
0xa2: {  	s22 =	simm.s32 $0x0;
	s6 =	sshll.u32 s6, $0x1;
	s7 =	sadd.s32 s21, s5  }
0xa3: {  	[timem:s22], [sflag:s8] =	dma.local [hbm:s7], s6  }
0xa4: {  	_ =	swait.ge [sflag:s8], s6  }
0xa5: {  	s6 =	ssub.s32 $0x0, s6;
	[sflag:s8] =	ssyncset.done $0x0  }
0xa6: {  	[sflag:s8] =	ssyncadd.s32 s6;
	_ =	sdelay $0x1  }
0xa7: {  	s23 =	simm.s32 $0x1B8B  }
0xa8: {  	_ =	swait.ge [sflag:s23], $0x1  }
0xa9: {  	[sflag:s23] =	ssyncset.done $0x0  }
0xaa: {  	[sflag:s23] =	ssyncadd.s32 $0xFFFFFFFF  }
0xab: {  	s6 =	sld [smem:$0x0]  }
0xac: {  	s7 =	sand.u32 $0xFFFFFFFE, s1  }
0xad: {  	p0 =	sne.s32 s1, s7  }
0xae: {  	s7 =	sshll.u32 @p0 s7, $0xE  }
0xaf: {  	s7 =	sadd.s32 @p0 $0x11B8D, s7;
	s8 =	sshll.u32 @p0 s6, $0x11  }
0xb0: {  	s7 =	sor.u32 @p0 s8, s7  }
0xb1: {  	[sflag:s7] =	ssyncadd.remote.s32 @p0 $0x1;
	_ =	sdelay $0x1  }
0xb2: {  	s7 =	simm.s32 @p0 $0x1B8D  }
0xb3: {  	_ =	swait.eq @p0 [sflag:s7], $0x1  }
0xb4: {  	[sflag:s7] =	ssyncadd.s32 @p0 $0xFFFFFFFF  }
0xb5: {  	s8 =	sshll.u32 @!p0 s1, $0xE  }
0xb6: {  	s8 =	sor.u32 @!p0 $0x4000, s8;
	s7 =	simm.s32 @!p0 $0x1B8D  }
0xb7: {  	s6 =	sshll.u32 @!p0 s6, $0x11;
	s8 =	sadd.s32 @!p0 $0x11B8D, s8;
	_ =	swait.eq @!p0 [sflag:s7], $0x1  }
0xb8: {  	s6 =	sor.u32 @!p0 s6, s8;
	[sflag:s7] =	ssyncadd.s32 @!p0 $0xFFFFFFFF  }
0xb9: {  	s25 =	simm.s32 $0x1B8E;
	s24 =	sld [smem:$0x3FFE];
	[sflag:s6] =	ssyncadd.remote.s32 @!p0 $0x1  }
0xba: {  	s26 =	simm.s32 $execute0_lowered;
	[smem:$0x3FD2] =	sst s25  }
0xbb: {  	s7 =	sshll.u32 s26, $0x1;
	_ =	strace $0x8000004C;
	[dreg:$0x1] =	wrdreg $0xFFFFFFFF  }
0xbc: {  	s28 =	simm.s32 $_size_execute0_lowered;
	s5 =	sadd.s32 s5, s7;
	[dreg:$0x0] =	wrdreg $0x0  }
0xbd: {  	s7 =	sshll.u32 s28, $0x1;
	[dreg:$0x2] =	wrdreg s5  }
0xbe: {  	[dreg:$0x3] =	wrdreg s7  }
0xbf: {  	[dreg:$0x4] =	wrdreg $0xC0  }
0xc0: {  	_ =	task [dreg:s22], $0x5FFFF  }
0xc1: {  	[dreg:$0x1] =	wrdreg $0xFFFFFFFF  }
0xc2: {  	[dreg:$0x0] =	wrdreg $0x60  }
0xc3: {  	[dreg:$0x2] =	wrdreg s2  }
0xc4: {  	[dreg:$0x3] =	wrdreg s17  }
0xc5: {  	[dreg:$0x4] =	wrdreg s24  }
0xc6: {  	[dreg:$0x5] =	wrdreg $0x9  }
0xc7: {  	_ =	task.clear_ibuf [dreg:s22], $0x6FFFF;
	_ =	strace $0x9000004C  }
0xc8: {  	s29 =	simm.s32 $0x9;
	_ =	strace $0x8000004E  }
0xc9: {  	_ =	swait.ge [sflag:s29], $0x1  }
0xca: {  	[sflag:s29] =	ssyncadd.s32 $0xFFFFFFFF  }
0xcb: {  	_ =	strace $0x9000004E  }
0xcc: {  	_ =	sfence  }
0xcd: {  	s30 =	sld [smem:$0x0];
	_ =	sdelay $0x2  }
0xce: {  	s31 =	sshll.u32 s1, $0xD;
	s1 =	sshrl.u32 s1, $0x2  }
0xcf: {  	s4 =	sand.u32 $0x4000, s31;
	s1 =	sadd.s32 s1, s30  }
0xd0: {  	s0 =	sor.u32 s4, s0;
	s1 =	sshll.u32 s1, $0x11  }
0xd1: {  	s0 =	sor.u32 s1, s0  }
0xd2: {  	s0 =	sadd.s32 $0x8F2B, s0  }
0xd3: {  	[sflag:s0] =	ssyncadd.remote.s32 $0x1  }
0xd4: {  	_ =	sfence.sel $0xFFFF  }
0xd5: {  	[dreg:$0x0] =	wrdreg $0xFFFFFFFF;
	(pc) =	sbr.abs _section_cstart, $3  }
0xd6: {  	[dreg:$0x1] =	wrdreg $0xFFFFFFFF  }
0xd7: {  	_ =	task.clear_ibuf [dreg:s22], $0x2FFFF;
	_ =	strace $0x9FFFFFFF  }
0xd8: {  	(tm) =	ssettm $0x7FFFFFFF  }
0xd9: {  	_ =	shalt  }
tec
execute0_lowered:
.L_overlay_start_1:
0x0: {  	(tag) =	ssettag $0x1  }
0x1: {  	s2 =	rddreg [dreg:$0x0]  }
0x2: {  	s1 =	srdreg.scid;
	s3 =	rddreg [dreg:$0x1]  }
0x3: {  	s0 =	stileid.u32;
	s5 =	rddreg [dreg:$0x2]  }
0x4: {  	s9 =	simm.s32 $0x1;
	s10 =	simm.s32 $0x3;
	s1 =	sshll.u32 s1, $0x6  }
0x5: {  	s13 =	simm.s32 $0x0;
	s4 =	sshll.u32 s0, $0x7;
	s6 =	sand.u32 $0x40, s1  }
0x6: {  	s12 =	simm.s32 $0x0;
	s5 =	sadd.s32 $0x22C00, s5;
	s4 =	sor.u32 s4, s6  }
0x7: {  	s1 =	rddreg [dreg:$0x3];
	_ =	strace $0x8000004D;
	s8 =	ssub.s32 $0x1000, s4  }
.Ltmp0:
0x8: {  	s6 =	simm.s32 $0x1;
	s7 =	sand.u32 $0x7C0, s8;
	(pc) =	sbr.rel .LBB2_1-.Ltmp0, $4  }
0x9: {  	[sflag:s6] =	ssyncpa.u1 $0x0;
	s11 =	smov.u32 s4;
	p0 =	sne.s32 s7, $0x0  }
0xa: {  	s8 =	sshrl.u32 s8, $0xB;
	s7 =	simm.s32 $0x2;
	s9 =	simm.s32 @!p0 $0x0  }
0xb: {  	[sflag:s7] =	ssyncpa.u1 $0x0;
	p0 =	por $0x0, $0x0;
	s8 =	sadd.s32 s9, s8  }
0xc: {  	vm0 =	vmmov $0xffff;
	[sflag:s10] =	ssyncpa.u1 $0x0;
	s10 =	simm.s32 $0x0;
	s9 =	sadd.s32 $0x1, s8  }
.LBB2_4:
0xd: {  	v2 =	vnsel vm1, $0x0, v2  }
0xe: {  	vm1 =	vgt.s32 v0, $0x0;
	v2 =	vmin.u32 v2, $0x3FFF  }
0xf: {  	v0 =	vnsel vm1, $0x0, v0  }
0x10: {  	v0 =	vmin.u32 v0, $0x3FFF  }
0x11: {  	[tilespmem:s15], [sflag:$0x1] =	stream.indirect_vreg.gather [hbm4b:s2+s10], $0x1, v1, vm0, $0x4038;
	[tilespmem:$0x100] =	vst v63  }
0x12: {  	(ifvalue) =	ssetifvalue $0x7FFFFFFF  }
0x13: {  	[tilespmem:s16], [sflag:$0x1] =	stream.indirect_vreg.gather [hbm4b:s2+s10], $0x1, v2, vm0, $0x4038;
	[tilespmem:$0x100] =	vst v63  }
0x14: {  	s29 =	sadd.s32 $0x10, s16;
	(ifvalue) =	ssetifvalue $0x7FFFFFFF  }
0x15: {  	[tilespmem:s29], [sflag:$0x1] =	stream.indirect_vreg.gather [hbm4b:s2+s10], $0x1, v0, vm0, $0x4038;
	[tilespmem:$0x100] =	vst v63  }
0x16: {  	_ =	swait.ge [sflag:s6], $0x40  }
0x17: {  	s30 =	sshrl.u32 s13, $0x3;
	[sflag:s6] =	ssyncset.done $0x0  }
0x18: {  	s31 =	sand.u32 $0x7, s13;
	s15 =	sadd.s32 s5, s30;
	[sflag:s6] =	ssyncadd.s32 $0xFFFFFFC0  }
0x19: {  	[hbm4b:s15+s31] =	stream.linear.scatter [tilespmem:s14], [sflag:$0x3], $0x40, $0x38;
	[tilespmem:$0x100] =	vst v63  }
.LBB2_5:
0x1a: {  	s15 =	sadd.s32 $0x800, s11  }
0x1b: {  	p2 =	sgt.s32 s15, $0xFFF  }
0x1c: {  	s15 =	smov.u32 @p2 s4;
	p2 =	sne.s32 s12, s9  }
.Ltmp1:
0x1d: {  	p1 =	slt.u32 s12, $0x2;
	(pc) =	sbr.rel @!p2 .LBB2_6-.Ltmp1, $4  }
0x1e: {  	s14 =	simm.s32 @!p1 $0x3  }
0x1f: {  	s16 =	sadd.s32 $0x1, s12;
	_ =	swait.ge @!p1 [sflag:s14], $0x40  }
0x20: {  	s13 =	smov.u32 s11;
	p0 =	por !p0, !p0;
	[sflag:s14] =	ssyncset.done @!p1 $0x0  }
0x21: {  	s12 =	smov.u32 s16;
	s11 =	smov.u32 s15;
	[sflag:s14] =	ssyncadd.s32 @!p1 $0xFFFFFFC0  }
.LBB2_1:
0x22: {  	p1 =	sge.u32 s12, s8  }
0x23: {  	s14 =	sxor.u32 @!p1 $0xFFFFFFFF, s12  }
0x24: {  	s31 =	sadd.s32 $0xFFFFFFFF, s12;
	s15 =	sshrl.u32 @!p1 s11, $0x3;
	s14 =	sshll.u32 @!p1 s14, $0x6  }
0x25: {  	s16 =	sand.u32 @!p1 $0x7, s11;
	s15 =	sadd.s32 @!p1 s3, s15;
	s14 =	sand.u32 @!p1 $0x40, s14  }
0x26: {  	[tilespmem:s14], [sflag:$0x2] =	stream.linear.gather @!p1 [hbm4b:s15+s16], $0x40, $0x38;
	[tilespmem:$0x100] =	vst v63  }
0x27: {  	p1 =	sge.u32 s31, s8  }
.Ltmp2:
0x28: {  	_ = 	snop;
	(pc) =	sbr.rel @p1 .LBB2_5-.Ltmp2, $1  }
0x29: {  	_ =	sdelay $0x3  }
0x2a: {  	s14 =	simm.s32 $0x1  }
0x2b: {  	_ =	swait.ge [sflag:s7], $0x40;
	s14 =	simm.s32 @!p0 $0x0  }
0x2c: {  	[sflag:s7] =	ssyncset.done $0x0;
	s14 =	sshll.u32 s14, $0x6  }
0x2d: {  	[sflag:s7] =	ssyncadd.s32 $0xFFFFFFC0;
	(ifvalue) =	ssetifvalue $0x7FFFFFFF;
	v0 =	vld.msk [tilespmem:s14+$0x0 ss:$0x1], $0xffff;
	_ =	sdelay $0x4  }
0x2e: {  	s15 =	sadd.s32 $0x10, s14;
	vm1 =	vgt.s32 v0, $0x0  }
0x2f: {  	v2 =	vld.msk [tilespmem:s15+$0x0 ss:$0x1], $0xffff;
	v1 =	vnsel vm1, $0x0, v0  }
0x30: {  	v1 =	vmin.u32 v1, $0x3FFF;
	_ =	sdelay $0x1  }
0x31: {  	s16 =	sshll.u32 s12, $0x6;
	s18 =	simm.s32 $0x20  }
0x32: {  	s16 =	sand.u32 $0x40, s16;
	s17 =	sadd.s32 $0x10, s15;
	s15 =	sor.u32 $0x80, s14  }
0x33: {  	s14 =	sor.u32 $0x80, s16;
	s16 =	sadd.s32 $0x10, s15;
	v0 =	vld.msk [tilespmem:s17+$0x0 ss:$0x1], $0xffff;
	vm1 =	vgt.s32 v2, $0x0;
	(ifvalue) =	ssetifvalue $0x7FFFFFFF  }
.LBB2_3:
0x34: {  	[tilespmem:s15], [sflag:$0x1] =	stream.indirect_vreg.gather [hbm4b:s2+s10], $0x1, v1, vm0, $0x4038;
	[tilespmem:$0x100] =	vst v63  }
0x35: {  	s18 =	sadd.s32 $0x10, s18  }
0x36: {  	v2 =	vnsel vm1, $0x0, v2;
	p1 =	slt.u32 s18, $0x30  }
.Ltmp3:
0x37: {  	s15 =	smov.u32 s16;
	v1 =	vmin.u32 v2, $0x3FFF;
	(pc) =	sbr.rel @p1 .LBB2_3-.Ltmp3, $3  }
0x38: {  	_ =	sdelay $0x1  }
0x39: {  	s17 =	sadd.s32 $0x10, s17  }
0x3a: {  	vm1 =	vgt.s32 v0, $0x0;
	s16 =	sadd.s32 $0x10, s16;
	v2 =	vmov v0;
	(ifvalue) =	ssetifvalue $0x7FFFFFFF;
	v0 =	vld.msk [tilespmem:s17+$0x0 ss:$0x1], $0xffff  }
.Ltmp4:
0x3b: {  	_ = 	snop;
	(pc) =	sbr.rel .LBB2_4-.Ltmp4, $1  }
0x3c: {  	_ =	sdelay $0x3  }
.LBB2_6:
0x3d: {  	_ =	sfence.sel $0x180000  }
0x3e: {  	s2 =	simm.s32 $0x2;
	[bflag:$0x0] =	sbarrier.arrive $0xFFFF  }
0x3f: {  	s30 =	simm.s32 $0x3;
	[sflag:s2] =	ssyncpa.u1 $0x1  }
0x40: {  	s31 =	simm.s32 $0x1;
	[sflag:s30] =	ssyncpa.u1 $0x1  }
0x41: {  	[sflag:s31] =	ssyncpa.u1 $0x1  }
0x42: {  	p0 =	sne.s32 s0, $0x0;
	_ =	strace $0x9000004D  }
0x43: {  	s0 =	sadd.s32 @!p0 $0x100000, s1;
	[bflag:$0x2] =	sbarrier.arrive $0xFFFF  }
0x44: {  	[sflag:s0] =	ssyncadd.tile.s32 @!p0 $0x1;
	_ =	shalt  }
.Lfunc_end2:
_tile_overlayer_lowered:
.L_overlay_start_2:
0x45: {  	(tag) =	ssettag $0x2  }
0x46: {  	s0 =	rddreg [dreg:$0x0];
	s2 =	stileid.u32  }
0x47: {  	s1 =	rddreg [dreg:$0x1];
	p0 =	sne.s32 s2, $0x0  }
0x48: {  	s3 =	rddreg [dreg:$0x2];
	[bflag:$0x3] =	sbarrier.arrive $0xFFFF;
	s2 =	simm.s32 @!p0 $0x1C01  }
0x49: {  	[timem:s3], [sflag:s2] =	dma.local @!p0 [hbm:s0], s1  }
0x4a: {  	s0 =	simm.s32 @!p0 $0x1  }
0x4b: {  	_ =	swait.ge @!p0 [sflag:s0], s1  }
0x4c: {  	s1 =	ssub.s32 @!p0 $0x0, s1;
	[sflag:s0] =	ssyncset.done @!p0 $0x0  }
0x4d: {  	[sflag:s0] =	ssyncadd.s32 @!p0 s1  }
0x4e: {  	[bflag:$0x3] =	sbarrier.arrive $0xFFFF  }
0x4f: {  	_ =	shalt  }

// kernel: gather_offload_async_start
scs
__scs_entry_jumppad:
0x0: {  	(pc) =	sbr.rel $0x88, $3  }
0x1: {  	(tag) =	ssettag $0x0;
	lr =	simm.s32 $0x1  }
0x2: {  	[smem:$0x3F9A] =	sst lr;
	_ =	strace $0xD0000000  }
0x3: {  	_ = 	snop  }
0x4: {  	_ = 	snop  }
0x5: {  	_ = 	snop  }
0x6: {  	_ = 	snop  }
0x7: {  	_ = 	snop  }
__scs_overlays_trampoline_lowered:
0x8: {  	[smem:$0x3FA9] =	sst s0  }
0x9: {  	[smem:$0x3FAA] =	sst s1  }
0xa: {  	[smem:$0x3FAB] =	sst s2  }
0xb: {  	[smem:$0x3FAC] =	sst s3  }
0xc: {  	[smem:$0x3FAD] =	sst s4  }
0xd: {  	[smem:$0x3FAE] =	sst s5  }
0xe: {  	[smem:$0x3FAF] =	sst s6  }
0xf: {  	[smem:$0x3FB0] =	sst s7  }
0x10: {  	[smem:$0x3FB1] =	sst s8  }
0x11: {  	[smem:$0x3FB2] =	sst s9;
	s0 =	simm.s32 @!p0 $0x0  }
0x12: {  	s1 =	sld [smem:$0x3F98];
	s0 =	simm.s32 @p0 $0x1  }
0x13: {  	[smem:$0x3FB3] =	sst s0;
	s0 =	simm.s32 @!p1 $0x0  }
0x14: {  	s2 =	sld [smem:$0x3F97];
	s0 =	simm.s32 @p1 $0x1  }
0x15: {  	[smem:$0x3FB4] =	sst s0;
	s0 =	simm.s32 @!p2 $0x0  }
0x16: {  	s3 =	sld [smem:$0x3FDB];
	s0 =	simm.s32 @p2 $0x1  }
0x17: {  	s4 =	simm.s32 $0x1BF5;
	[smem:$0x3FB6] =	sst s0  }
0x18: {  	s0 =	sld [smem:$0x3F99];
	_ =	swait.ge [sflag:s4], $0x0  }
0x19: {  	s7 =	sld [smem:$0x3F9A]  }
0x1a: {  	s8 =	sadd.s32 $0xFFFFE003, lr  }
0x1b: {  	s9 =	sadd.s32 $0xFFFFFEF7, lr;
	s5 =	simm.s32 $0xFFFFFFFF;
	p2 =	slt.u32 s8, $0xFFFFF086  }
0x1c: {  	p1 =	slt.u32 s9, $0xF7A;
	s5 =	simm.s32 @!p2 $0x0  }
0x1d: {  	s5 =	simm.s32 @p1 $0x1;
	p0 =	seq.s32 s7, s2  }
0x1e: {  	s7 =	smul.u32 @!p0 $0xF7A, s2;
	p2 =	seq.s32 @!p0 s5, $0x0  }
0x1f: {  	s9 =	smul.u32 $0xF7A, s1;
	s8 =	simm.s32 @!p0 $0x1BF5;
	p2 =	por !p2, p0  }
0x20: {  	[sflag:s8] =	ssyncset.s32 @!p0 $0xFFFFF086;
	s6 =	sadd.s32 @!p0 s3, s7;
	s7 =	simm.s32 @!p0 $0x108  }
0x21: {  	s3 =	sadd.s32 s3, s9;
	s6 =	sadd.s32 @!p0 $0x88, s6;
	s7 =	simm.s32 @p2 $0x1082  }
0x22: {  	[simem:s7], [sflag:s8] =	dma.local @!p0 [hbm:s6], $0xF7A  }
0x23: {  	s9 =	sor.u32 $0xD0000000, s2;
	s6 =	simm.s32 $0x108;
	_ =	swait.ge @!p0 [sflag:s8], $0x0  }
0x24: {  	s3 =	sadd.s32 $0x88, s3;
	s6 =	simm.s32 @!p1 $0x1082;
	[sflag:s4] =	ssyncset.s32 $0xFFFFF086  }
0x25: {  	[simem:s6], [sflag:s4] =	dma.local [hbm:s3], $0xF7A  }
0x26: {  	[smem:$0x3F9A] =	sst s1;
	(tag) =	ssettag s2;
	_ =	strace s9  }
0x27: {  	s1 =	sld [smem:$0x3FAA]  }
0x28: {  	s2 =	sld [smem:$0x3FAB]  }
0x29: {  	s4 =	sld [smem:$0x3FAD]  }
0x2a: {  	p0 =	seq.s32 s5, $0x0;
	s5 =	sld [smem:$0x3FAE]  }
0x2b: {  	s6 =	sld [smem:$0x3FAF]  }
0x2c: {  	s7 =	sld [smem:$0x3FB0]  }
0x2d: {  	s3 =	simm.s32 $0x108;
	s8 =	sld [smem:$0x3FB1]  }
0x2e: {  	s3 =	simm.s32 @!p0 $0x1082;
	s9 =	sld [smem:$0x3FB2]  }
0x2f: {  	lr =	sadd.s32 s0, s3;
	s0 =	sld [smem:$0x3FA9]  }
0x30: {  	s3 =	sld [smem:$0x3FAC]  }
0x31: {  	[smem:$0x3FB5] =	sst s10  }
0x32: {  	s10 =	sld [smem:$0x3FB3];
	_ =	sdelay $0x3  }
0x33: {  	p0 =	seq.s32 s10, $0x1;
	s10 =	sld [smem:$0x3FB5];
	_ =	sdelay $0x3  }
0x34: {  	[smem:$0x3FB5] =	sst s10  }
0x35: {  	s10 =	sld [smem:$0x3FB4];
	_ =	sdelay $0x3  }
0x36: {  	p1 =	seq.s32 s10, $0x1;
	s10 =	sld [smem:$0x3FB5];
	_ =	sdelay $0x3  }
0x37: {  	[smem:$0x3FB5] =	sst s10  }
0x38: {  	s10 =	sld [smem:$0x3FB6]  }
0x39: {  	_ = 	snop;
	(pc) =	sbr.ind lr, $3  }
0x3a: {  	_ = 	snop  }
0x3b: {  	_ = 	snop  }
0x3c: {  	p2 =	seq.s32 s10, $0x1;
	s10 =	sld [smem:$0x3FB5]  }
0x3d: {  	_ =	shalt  }
0x3e: {  	_ =	shalt  }
0x3f: {  	_ =	shalt  }
0x40: {  	_ =	shalt  }
0x41: {  	_ =	shalt  }
0x42: {  	_ =	shalt  }
0x43: {  	_ =	shalt  }
0x44: {  	_ =	shalt  }
0x45: {  	_ =	shalt  }
0x46: {  	_ =	shalt  }
0x47: {  	_ =	shalt  }
0x48: {  	_ =	shalt  }
0x49: {  	_ =	shalt  }
0x4a: {  	_ =	shalt  }
0x4b: {  	_ =	shalt  }
0x4c: {  	_ =	shalt  }
0x4d: {  	_ =	shalt  }
0x4e: {  	_ =	shalt  }
0x4f: {  	_ =	shalt  }
0x50: {  	_ =	shalt  }
0x51: {  	_ =	shalt  }
0x52: {  	_ =	shalt  }
0x53: {  	_ =	shalt  }
0x54: {  	_ =	shalt  }
0x55: {  	_ =	shalt  }
0x56: {  	_ =	shalt  }
0x57: {  	_ =	shalt  }
0x58: {  	_ =	shalt  }
0x59: {  	_ =	shalt  }
0x5a: {  	_ =	shalt  }
0x5b: {  	_ =	shalt  }
0x5c: {  	_ =	shalt  }
0x5d: {  	_ =	shalt  }
0x5e: {  	_ =	shalt  }
0x5f: {  	_ =	shalt  }
0x60: {  	_ =	shalt  }
0x61: {  	_ =	shalt  }
0x62: {  	_ =	shalt  }
0x63: {  	_ =	shalt  }
0x64: {  	_ =	shalt  }
0x65: {  	_ =	shalt  }
0x66: {  	_ =	shalt  }
0x67: {  	_ =	shalt  }
0x68: {  	_ =	shalt  }
0x69: {  	_ =	shalt  }
0x6a: {  	_ =	shalt  }
0x6b: {  	_ =	shalt  }
0x6c: {  	_ =	shalt  }
0x6d: {  	_ =	shalt  }
0x6e: {  	_ =	shalt  }
0x6f: {  	_ =	shalt  }
0x70: {  	_ =	shalt  }
0x71: {  	_ =	shalt  }
0x72: {  	_ =	shalt  }
0x73: {  	_ =	shalt  }
0x74: {  	_ =	shalt  }
0x75: {  	_ =	shalt  }
0x76: {  	_ =	shalt  }
0x77: {  	_ =	shalt  }
0x78: {  	_ =	shalt  }
0x79: {  	_ =	shalt  }
0x7a: {  	_ =	shalt  }
0x7b: {  	_ =	shalt  }
0x7c: {  	_ =	shalt  }
0x7d: {  	_ =	shalt  }
0x7e: {  	_ =	shalt  }
0x7f: {  	_ =	shalt  }
0x80: {  	_ =	shalt  }
0x81: {  	_ =	shalt  }
0x82: {  	_ =	shalt  }
0x83: {  	_ =	shalt  }
0x84: {  	_ =	shalt  }
0x85: {  	_ =	shalt  }
0x86: {  	_ =	shalt  }
0x87: {  	_ =	shalt  }
.Lfunc_end0:
.L_simem_size_0:
called_computation_lowered:
.L_overlay_start_0:
0x88: {  	s2 =	sld [smem:$0x3FD9]  }
0x89: {  	s3 =	sld [smem:$0x3FFE];
	_ =	sdelay $0x1  }
0x8a: {  	s1 =	srdreg.scid  }
0x8b: {  	s0 =	sand.u32 $0x1, s1  }
0x8c: {  	s14 =	sshll.u32 s0, $0xA;
	s2 =	sadd.s32 s3, s2  }
0x8d: {  	s2 =	sadd.s32 s2, s14  }
0x8e: {  	[smem:$0x3FC1] =	sst s2  }
0x8f: {  	_ = 	snop  }
0x90: {  	s2 =	sld [smem:$0x3FD0];
	_ =	sdelay $0x2  }
0x91: {  	s15 =	simm.s32 $0xB;
	s4 =	simm.s32 $0x10  }
0x92: {  	[smem:s4], [sflag:s15] =	dma.local [hbm:s2], $0x1  }
0x93: {  	_ =	swait.eq [sflag:s15], $0x1  }
0x94: {  	[sflag:s15] =	ssyncset.done $0x0  }
0x95: {  	s16 =	sld [smem:$0x10];
	[sflag:s15] =	ssyncadd.s32 $0xFFFFFFFF  }
0x96: {  	s17 =	sld [smem:$0x12];
	(tm) =	ssettm $0x1  }
0x97: {  	s18 =	sld [smem:$0x3FFB];
	_ =	sdelay $0x3  }
0x98: {  	_ =	strace s18  }
0x99: {  	s4 =	sld [smem:$0x3FFC];
	_ =	sdelay $0x3  }
0x9a: {  	_ =	strace s4  }
0x9b: {  	s4 =	sld [smem:$0x3FFD];
	_ =	sdelay $0x3  }
0x9c: {  	_ =	strace s4  }
0x9d: {  	_ =	strace $0x8FFFFFFF  }
0x9e: {  	s19 =	sld [smem:$0x3FDB];
	_ =	sdelay $0x1  }
0x9f: {  	s5 =	simm.s32 $_scs_section_size  }
0xa0: {  	s6 =	simm.s32 $_size__tile_overlayer_lowered;
	s7 =	simm.s32 $_tile_overlayer_lowered  }
0xa1: {  	s22 =	simm.s32 $0x1BFF;
	s21 =	sshll.u32 s7, $0x1;
	s4 =	sadd.s32 s5, s19  }
0xa2: {  	s8 =	simm.s32 $0x0;
	s20 =	sshll.u32 s6, $0x1;
	s6 =	sadd.s32 s21, s4  }
0xa3: {  	[timem:s8], [sflag:s22] =	dma.local [hbm:s6], s20  }
0xa4: {  	_ =	swait.ge [sflag:s22], s20  }
0xa5: {  	s5 =	ssub.s32 $0x0, s20;
	[sflag:s22] =	ssyncset.done $0x0  }
0xa6: {  	[sflag:s22] =	ssyncadd.s32 s5;
	_ =	sdelay $0x1  }
0xa7: {  	s23 =	simm.s32 $0x1B8B  }
0xa8: {  	_ =	swait.ge [sflag:s23], $0x1  }
0xa9: {  	[sflag:s23] =	ssyncset.done $0x0  }
0xaa: {  	s25 =	simm.s32 $0x1B8E;
	s24 =	sld [smem:$0x3FFE];
	[sflag:s23] =	ssyncadd.s32 $0xFFFFFFFF  }
0xab: {  	s26 =	simm.s32 $execute0_lowered;
	[smem:$0x3FD2] =	sst s25  }
0xac: {  	s6 =	sshll.u32 s26, $0x1;
	_ =	strace $0x80000046;
	[dreg:$0x1] =	wrdreg $0xFFFFFFFF  }
0xad: {  	s28 =	simm.s32 $_size_execute0_lowered;
	s4 =	sadd.s32 s4, s6;
	[dreg:$0x0] =	wrdreg $0x0  }
0xae: {  	s6 =	sshll.u32 s28, $0x1;
	[dreg:$0x2] =	wrdreg s4  }
0xaf: {  	[dreg:$0x3] =	wrdreg s6  }
0xb0: {  	[dreg:$0x4] =	wrdreg $0xC0  }
0xb1: {  	_ =	task [dreg:s8], $0x5FFFF  }
0xb2: {  	[dreg:$0x1] =	wrdreg $0xFFFFFFFF  }
0xb3: {  	[dreg:$0x0] =	wrdreg $0x60  }
0xb4: {  	[dreg:$0x2] =	wrdreg s24  }
0xb5: {  	[dreg:$0x3] =	wrdreg s17  }
0xb6: {  	[dreg:$0x4] =	wrdreg s16  }
0xb7: {  	[dreg:$0x5] =	wrdreg $0x9  }
0xb8: {  	_ =	task.clear_ibuf [dreg:s8], $0x6FFFF;
	_ =	strace $0x90000046  }
0xb9: {  	s29 =	simm.s32 $0x9;
	_ =	strace $0x80000048  }
0xba: {  	_ =	swait.ge [sflag:s29], $0x1  }
0xbb: {  	[sflag:s29] =	ssyncadd.s32 $0xFFFFFFFF  }
0xbc: {  	_ =	strace $0x90000048  }
0xbd: {  	_ =	sfence  }
0xbe: {  	s30 =	sld [smem:$0x0];
	_ =	sdelay $0x2  }
0xbf: {  	s31 =	sshll.u32 s1, $0xD;
	s1 =	sshrl.u32 s1, $0x2  }
0xc0: {  	s3 =	sand.u32 $0x4000, s31;
	s1 =	sadd.s32 s1, s30  }
0xc1: {  	s0 =	sor.u32 s3, s0;
	s1 =	sshll.u32 s1, $0x11  }
0xc2: {  	s0 =	sor.u32 s1, s0  }
0xc3: {  	s0 =	sadd.s32 $0x8F2B, s0  }
0xc4: {  	[sflag:s0] =	ssyncadd.remote.s32 $0x1  }
0xc5: {  	_ =	sfence.sel $0xFFFF  }
0xc6: {  	[dreg:$0x0] =	wrdreg $0xFFFFFFFF;
	(pc) =	sbr.abs _section_cstart, $3  }
0xc7: {  	[dreg:$0x1] =	wrdreg $0xFFFFFFFF  }
0xc8: {  	_ =	task.clear_ibuf [dreg:s8], $0x2FFFF;
	_ =	strace $0x9FFFFFFF  }
0xc9: {  	(tm) =	ssettm $0x7FFFFFFF  }
tec
execute0_lowered:
.L_overlay_start_1:
0x0: {  	(tag) =	ssettag $0x1  }
0x1: {  	s7 =	rddreg [dreg:$0x0]  }
0x2: {  	s2 =	rddreg [dreg:$0x1]  }
0x3: {  	s3 =	rddreg [dreg:$0x2]  }
0x4: {  	s0 =	rddreg [dreg:$0x3];
	s1 =	srdreg.scid;
	_ =	strace $0x80000047  }
0x5: {  	s4 =	simm.s32 $0x1;
	s9 =	simm.s32 $0x3;
	s5 =	sshll.u32 s1, $0x4  }
.Ltmp0:
0x6: {  	s1 =	stileid.u32;
	s5 =	sand.u32 $0x10, s5;
	(pc) =	sbr.rel .LBB2_1-.Ltmp0, $4  }
0x7: {  	s12 =	simm.s32 $0x0;
	s10 =	simm.s32 $0x0;
	s6 =	sor.u32 s1, s5  }
0x8: {  	[sflag:s4] =	ssyncpa.u1 $0x0;
	s5 =	simm.s32 $0x2;
	s6 =	sshll.u32 s6, $0x7  }
0x9: {  	s7 =	sadd.s32 $0x2C00, s7;
	[sflag:s5] =	ssyncpa.u1 $0x0;
	s8 =	sadd.s32 $0x80, s6  }
0xa: {  	vm0 =	vmmov $0xff;
	vm1 =	vcmask $0x3F20;
	[sflag:s9] =	ssyncpa.u1 $0x0;
	s9 =	simm.s32 $0x80;
	s11 =	smov.u32 s6  }
.LBB2_9:
0xb: {  	p0 =	seq.s32 s10, $0x2  }
.Ltmp1:
0xc: {  	_ = 	snop;
	(pc) =	sbr.rel @p0 .LBB2_11-.Ltmp1, $1  }
0xd: {  	_ =	sdelay $0x3  }
.LBB2_10:
0xe: {  	s12 =	sadd.s32 $0x80, s11  }
0xf: {  	s13 =	smov.u32 s6;
	p0 =	slt.s32 s12, s8  }
0x10: {  	s13 =	smov.u32 @p0 s12  }
0x11: {  	s10 =	sadd.s32 $0x1, s10;
	s12 =	smov.u32 s11;
	s11 =	smov.u32 s13  }
.LBB2_1:
0x12: {  	p0 =	sne.s32 s10, $0x0  }
.Ltmp2:
0x13: {  	_ = 	snop;
	(pc) =	sbr.rel @!p0 .LBB2_2-.Ltmp2, $1  }
0x14: {  	_ =	sdelay $0x3  }
0x15: {  	s13 =	sand.u32 $0x1, s10  }
0x16: {  	p0 =	seq.s32 s13, $0x0  }
.Ltmp3:
0x17: {  	_ = 	snop;
	(pc) =	sbr.rel @p0 .LBB2_9-.Ltmp3, $1  }
0x18: {  	_ =	sdelay $0x3  }
0x19: {  	_ =	swait.ge [sflag:s5], $0x80  }
0x1a: {  	[sflag:s5] =	ssyncset.done $0x0  }
0x1b: {  	s13 =	simm.s32 $0x0;
	[sflag:s5] =	ssyncadd.s32 $0xFFFFFF80  }
0x1c: {  	v0 =	vld.msk [tilespmem:s13+$0x80 ss:$0x1], $0xffff;
	_ =	sdelay $0x4  }
0x1d: {  	vm2 =	vgt.s32 v0, $0x0  }
0x1e: {  	v0 =	vnsel vm2, $0x0, v0  }
0x1f: {  	v0 =	vmin.u32 v0, $0x3FFF  }
0x20: {  	v0 =	vshll.u32 v0, $0x4;
	_ =	sdelay $0x3  }
0x21: {  	s13 =	simm.s32 $0x4100  }
0x22: {  	[tilespmem:s13], [sflag:$0x1] =	stream.indirect_vreg.gather [hbm:s7], $0x80, v0, vm0, $0x38;
	[tilespmem:$0x8100] =	vst v63  }
0x23: {  	s14 =	simm.s32 $0x4500;
	s31 =	simm.s32 $0x10  }
0x24: {  	[tilespmem:s14], [sflag:$0x1] =	stream.indirect_vreg.gather [hbm:s7], $0x80, v0, vm1, $0x38;
	[tilespmem:$0x8100] =	vst v63  }
0x25: {  	s14 =	simm.s32 $0x80;
	v0 =	vld.msk [tilespmem:s31+$0x80 ss:$0x1], $0xffff  }
.LBB2_5:
0x26: {  	p0 =	sne.s32 s14, $0x1C0;
	_ =	sdelay $0x4  }
0x27: {  	vm2 =	vgt.s32 v0, $0x0  }
0x28: {  	v0 =	vnsel vm2, $0x0, v0  }
0x29: {  	v0 =	vmin.u32 v0, $0x3FFF  }
0x2a: {  	v0 =	vshll.u32 v0, $0x4;
	_ =	sdelay $0x3  }
.Ltmp4:
0x2b: {  	s13 =	sadd.s32 $0x800, s13;
	(pc) =	sbr.rel @p0 .LBB2_5-.Ltmp4, $4  }
0x2c: {  	[tilespmem:s13], [sflag:$0x1] =	stream.indirect_vreg.gather [hbm:s7], $0x80, v0, vm0, $0x38;
	[tilespmem:$0x8100] =	vst v63  }
0x2d: {  	s15 =	sshra.s32 s14, $0x2;
	s16 =	sadd.s32 $0x400, s13  }
0x2e: {  	[tilespmem:s16], [sflag:$0x1] =	stream.indirect_vreg.gather [hbm:s7], $0x80, v0, vm1, $0x38;
	[tilespmem:$0x8100] =	vst v63  }
0x2f: {  	s14 =	sadd.s32 $0x40, s14;
	v0 =	vld.msk [tilespmem:s15+$0x80 ss:$0x1], $0xffff  }
0x30: {  	_ =	sdelay $0x3  }
0x31: {  	vm2 =	vgt.s32 v0, $0x0  }
0x32: {  	v0 =	vnsel vm2, $0x0, v0  }
0x33: {  	v0 =	vmin.u32 v0, $0x3FFF  }
0x34: {  	v0 =	vshll.u32 v0, $0x4;
	_ =	sdelay $0x3  }
0x35: {  	s13 =	sadd.s32 $0x800, s13  }
0x36: {  	[tilespmem:s13], [sflag:$0x1] =	stream.indirect_vreg.gather [hbm:s7], $0x80, v0, vm0, $0x38;
	[tilespmem:$0x8100] =	vst v63  }
0x37: {  	s13 =	sadd.s32 $0x400, s13  }
0x38: {  	[tilespmem:s13], [sflag:$0x1] =	stream.indirect_vreg.gather [hbm:s7], $0x80, v0, vm1, $0x38;
	[tilespmem:$0x8100] =	vst v63  }
0x39: {  	s12 =	sshll.u32 s12, $0x4;
	s14 =	simm.s32 $0x80;
	_ =	swait.ge [sflag:s4], $0x4000  }
0x3a: {  	s15 =	simm.s32 $0x4500;
	s12 =	sadd.s32 s12, s3;
	[sflag:s4] =	ssyncset.done $0x0  }
0x3b: {  	s16 =	sadd.s32 $0x0, s12;
	s13 =	simm.s32 $0x4100;
	[sflag:s4] =	ssyncadd.s32 $0xFFFFC000  }
.LBB2_7:
0x3c: {  	[hbm:s16] =	stream.linear.scatter [tilespmem:s13], [sflag:$0x3], $0x400, $0x38;
	[tilespmem:$0x8100] =	vst v63  }
0x3d: {  	s16 =	smov.u32 s14;
	s13 =	smov.u32 s15;
	p0 =	sne.s32 s14, $0x780  }
.Ltmp5:
0x3e: {  	s14 =	sadd.s32 $0x80, s14;
	(pc) =	sbr.rel @p0 .LBB2_7-.Ltmp5, $2  }
0x3f: {  	_ =	sdelay $0x2  }
0x40: {  	s15 =	sadd.s32 $0x400, s15;
	s16 =	sadd.s32 s16, s12  }
.Ltmp6:
0x41: {  	(pc) =	sbr.rel .LBB2_9-.Ltmp6, $2  }
0x42: {  	_ =	sdelay $0x2  }
0x43: {  	[hbm:s16] =	stream.linear.scatter [tilespmem:s13], [sflag:$0x3], $0x400, $0x38;
	[tilespmem:$0x8100] =	vst v63  }
.LBB2_2:
.Ltmp7:
0x44: {  	(pc) =	sbr.rel .LBB2_10-.Ltmp7, $4  }
0x45: {  	_ = 	snop  }
0x46: {  	s12 =	sshrl.u32 s11, $0x3  }
0x47: {  	s13 =	sand.u32 $0x7, s11;
	s12 =	sadd.s32 s2, s12  }
0x48: {  	[tilespmem:s9], [sflag:$0x2] =	stream.linear.gather [hbm4b:s12+s13], $0x80, $0x38;
	[tilespmem:$0x8100] =	vst v63  }
.LBB2_11:
0x49: {  	s2 =	simm.s32 $0x3  }
0x4a: {  	_ =	swait.ge [sflag:s2], $0x4000  }
0x4b: {  	[sflag:s2] =	ssyncset.done $0x0  }
0x4c: {  	[sflag:s2] =	ssyncadd.s32 $0xFFFFC000  }
0x4d: {  	_ =	sfence.sel $0x180000  }
0x4e: {  	s3 =	simm.s32 $0x2;
	[bflag:$0x0] =	sbarrier.arrive $0xFFFF  }
0x4f: {  	[sflag:s3] =	ssyncpa.u1 $0x1  }
0x50: {  	s31 =	simm.s32 $0x1;
	[sflag:s2] =	ssyncpa.u1 $0x1  }
0x51: {  	[sflag:s31] =	ssyncpa.u1 $0x1  }
0x52: {  	p0 =	sne.s32 s1, $0x0;
	_ =	strace $0x90000047  }
0x53: {  	s0 =	sadd.s32 @!p0 $0x100000, s0;
	[bflag:$0x2] =	sbarrier.arrive $0xFFFF  }
0x54: {  	[sflag:s0] =	ssyncadd.tile.s32 @!p0 $0x1;
	_ =	shalt  }
.Lfunc_end2:
_tile_overlayer_lowered:
.L_overlay_start_2:
0x55: {  	(tag) =	ssettag $0x2  }
0x56: {  	s0 =	rddreg [dreg:$0x0];
	s2 =	stileid.u32  }
0x57: {  	s1 =	rddreg [dreg:$0x1];
	p0 =	sne.s32 s2, $0x0  }
0x58: {  	s3 =	rddreg [dreg:$0x2];
	[bflag:$0x3] =	sbarrier.arrive $0xFFFF;
	s2 =	simm.s32 @!p0 $0x1C01  }
0x59: {  	[timem:s3], [sflag:s2] =	dma.local @!p0 [hbm:s0], s1  }
0x5a: {  	s0 =	simm.s32 @!p0 $0x1  }
0x5b: {  	_ =	swait.ge @!p0 [sflag:s0], s1  }
0x5c: {  	s1 =	ssub.s32 @!p0 $0x0, s1;
	[sflag:s0] =	ssyncset.done @!p0 $0x0  }
0x5d: {  	[sflag:s0] =	ssyncadd.s32 @!p0 s1  }
0x5e: {  	[bflag:$0x3] =	sbarrier.arrive $0xFFFF  }
0x5f: {  	_ =	shalt  }

// kernel: kernel.10.cloned.1.call-start
scs
__scs_entry_jumppad:
0x0: {  	(pc) =	sbr.rel $0x88, $3  }
0x1: {  	(tag) =	ssettag $0x0;
	lr =	simm.s32 $0x1  }
0x2: {  	[smem:$0x3F9A] =	sst lr;
	_ =	strace $0xD0000000  }
0x3: {  	_ = 	snop  }
0x4: {  	_ = 	snop  }
0x5: {  	_ = 	snop  }
0x6: {  	_ = 	snop  }
0x7: {  	_ = 	snop  }
__scs_overlays_trampoline_lowered:
0x8: {  	[smem:$0x3FA9] =	sst s0  }
0x9: {  	[smem:$0x3FAA] =	sst s1  }
0xa: {  	[smem:$0x3FAB] =	sst s2  }
0xb: {  	[smem:$0x3FAC] =	sst s3  }
0xc: {  	[smem:$0x3FAD] =	sst s4  }
0xd: {  	[smem:$0x3FAE] =	sst s5  }
0xe: {  	[smem:$0x3FAF] =	sst s6  }
0xf: {  	[smem:$0x3FB0] =	sst s7  }
0x10: {  	[smem:$0x3FB1] =	sst s8  }
0x11: {  	[smem:$0x3FB2] =	sst s9;
	s0 =	simm.s32 @!p0 $0x0  }
0x12: {  	s1 =	sld [smem:$0x3F98];
	s0 =	simm.s32 @p0 $0x1  }
0x13: {  	[smem:$0x3FB3] =	sst s0;
	s0 =	simm.s32 @!p1 $0x0  }
0x14: {  	s2 =	sld [smem:$0x3F97];
	s0 =	simm.s32 @p1 $0x1  }
0x15: {  	[smem:$0x3FB4] =	sst s0;
	s0 =	simm.s32 @!p2 $0x0  }
0x16: {  	s3 =	sld [smem:$0x3FDB];
	s0 =	simm.s32 @p2 $0x1  }
0x17: {  	s4 =	simm.s32 $0x1BF5;
	[smem:$0x3FB6] =	sst s0  }
0x18: {  	s0 =	sld [smem:$0x3F99];
	_ =	swait.ge [sflag:s4], $0x0  }
0x19: {  	s7 =	sld [smem:$0x3F9A]  }
0x1a: {  	s8 =	sadd.s32 $0xFFFFE003, lr  }
0x1b: {  	s9 =	sadd.s32 $0xFFFFFEF7, lr;
	s5 =	simm.s32 $0xFFFFFFFF;
	p2 =	slt.u32 s8, $0xFFFFF086  }
0x1c: {  	p1 =	slt.u32 s9, $0xF7A;
	s5 =	simm.s32 @!p2 $0x0  }
0x1d: {  	s5 =	simm.s32 @p1 $0x1;
	p0 =	seq.s32 s7, s2  }
0x1e: {  	s7 =	smul.u32 @!p0 $0xF7A, s2;
	p2 =	seq.s32 @!p0 s5, $0x0  }
0x1f: {  	s9 =	smul.u32 $0xF7A, s1;
	s8 =	simm.s32 @!p0 $0x1BF5;
	p2 =	por !p2, p0  }
0x20: {  	[sflag:s8] =	ssyncset.s32 @!p0 $0xFFFFF086;
	s6 =	sadd.s32 @!p0 s3, s7;
	s7 =	simm.s32 @!p0 $0x108  }
0x21: {  	s3 =	sadd.s32 s3, s9;
	s6 =	sadd.s32 @!p0 $0x88, s6;
	s7 =	simm.s32 @p2 $0x1082  }
0x22: {  	[simem:s7], [sflag:s8] =	dma.local @!p0 [hbm:s6], $0xF7A  }
0x23: {  	s9 =	sor.u32 $0xD0000000, s2;
	s6 =	simm.s32 $0x108;
	_ =	swait.ge @!p0 [sflag:s8], $0x0  }
0x24: {  	s3 =	sadd.s32 $0x88, s3;
	s6 =	simm.s32 @!p1 $0x1082;
	[sflag:s4] =	ssyncset.s32 $0xFFFFF086  }
0x25: {  	[simem:s6], [sflag:s4] =	dma.local [hbm:s3], $0xF7A  }
0x26: {  	[smem:$0x3F9A] =	sst s1;
	(tag) =	ssettag s2;
	_ =	strace s9  }
0x27: {  	s1 =	sld [smem:$0x3FAA]  }
0x28: {  	s2 =	sld [smem:$0x3FAB]  }
0x29: {  	s4 =	sld [smem:$0x3FAD]  }
0x2a: {  	p0 =	seq.s32 s5, $0x0;
	s5 =	sld [smem:$0x3FAE]  }
0x2b: {  	s6 =	sld [smem:$0x3FAF]  }
0x2c: {  	s7 =	sld [smem:$0x3FB0]  }
0x2d: {  	s3 =	simm.s32 $0x108;
	s8 =	sld [smem:$0x3FB1]  }
0x2e: {  	s3 =	simm.s32 @!p0 $0x1082;
	s9 =	sld [smem:$0x3FB2]  }
0x2f: {  	lr =	sadd.s32 s0, s3;
	s0 =	sld [smem:$0x3FA9]  }
0x30: {  	s3 =	sld [smem:$0x3FAC]  }
0x31: {  	[smem:$0x3FB5] =	sst s10  }
0x32: {  	s10 =	sld [smem:$0x3FB3];
	_ =	sdelay $0x3  }
0x33: {  	p0 =	seq.s32 s10, $0x1;
	s10 =	sld [smem:$0x3FB5];
	_ =	sdelay $0x3  }
0x34: {  	[smem:$0x3FB5] =	sst s10  }
0x35: {  	s10 =	sld [smem:$0x3FB4];
	_ =	sdelay $0x3  }
0x36: {  	p1 =	seq.s32 s10, $0x1;
	s10 =	sld [smem:$0x3FB5];
	_ =	sdelay $0x3  }
0x37: {  	[smem:$0x3FB5] =	sst s10  }
0x38: {  	s10 =	sld [smem:$0x3FB6]  }
0x39: {  	_ = 	snop;
	(pc) =	sbr.ind lr, $3  }
0x3a: {  	_ = 	snop  }
0x3b: {  	_ = 	snop  }
0x3c: {  	p2 =	seq.s32 s10, $0x1;
	s10 =	sld [smem:$0x3FB5]  }
0x3d: {  	_ =	shalt  }
0x3e: {  	_ =	shalt  }
0x3f: {  	_ =	shalt  }
0x40: {  	_ =	shalt  }
0x41: {  	_ =	shalt  }
0x42: {  	_ =	shalt  }
0x43: {  	_ =	shalt  }
0x44: {  	_ =	shalt  }
0x45: {  	_ =	shalt  }
0x46: {  	_ =	shalt  }
0x47: {  	_ =	shalt  }
0x48: {  	_ =	shalt  }
0x49: {  	_ =	shalt  }
0x4a: {  	_ =	shalt  }
0x4b: {  	_ =	shalt  }
0x4c: {  	_ =	shalt  }
0x4d: {  	_ =	shalt  }
0x4e: {  	_ =	shalt  }
0x4f: {  	_ =	shalt  }
0x50: {  	_ =	shalt  }
0x51: {  	_ =	shalt  }
0x52: {  	_ =	shalt  }
0x53: {  	_ =	shalt  }
0x54: {  	_ =	shalt  }
0x55: {  	_ =	shalt  }
0x56: {  	_ =	shalt  }
0x57: {  	_ =	shalt  }
0x58: {  	_ =	shalt  }
0x59: {  	_ =	shalt  }
0x5a: {  	_ =	shalt  }
0x5b: {  	_ =	shalt  }
0x5c: {  	_ =	shalt  }
0x5d: {  	_ =	shalt  }
0x5e: {  	_ =	shalt  }
0x5f: {  	_ =	shalt  }
0x60: {  	_ =	shalt  }
0x61: {  	_ =	shalt  }
0x62: {  	_ =	shalt  }
0x63: {  	_ =	shalt  }
0x64: {  	_ =	shalt  }
0x65: {  	_ =	shalt  }
0x66: {  	_ =	shalt  }
0x67: {  	_ =	shalt  }
0x68: {  	_ =	shalt  }
0x69: {  	_ =	shalt  }
0x6a: {  	_ =	shalt  }
0x6b: {  	_ =	shalt  }
0x6c: {  	_ =	shalt  }
0x6d: {  	_ =	shalt  }
0x6e: {  	_ =	shalt  }
0x6f: {  	_ =	shalt  }
0x70: {  	_ =	shalt  }
0x71: {  	_ =	shalt  }
0x72: {  	_ =	shalt  }
0x73: {  	_ =	shalt  }
0x74: {  	_ =	shalt  }
0x75: {  	_ =	shalt  }
0x76: {  	_ =	shalt  }
0x77: {  	_ =	shalt  }
0x78: {  	_ =	shalt  }
0x79: {  	_ =	shalt  }
0x7a: {  	_ =	shalt  }
0x7b: {  	_ =	shalt  }
0x7c: {  	_ =	shalt  }
0x7d: {  	_ =	shalt  }
0x7e: {  	_ =	shalt  }
0x7f: {  	_ =	shalt  }
0x80: {  	_ =	shalt  }
0x81: {  	_ =	shalt  }
0x82: {  	_ =	shalt  }
0x83: {  	_ =	shalt  }
0x84: {  	_ =	shalt  }
0x85: {  	_ =	shalt  }
0x86: {  	_ =	shalt  }
0x87: {  	_ =	shalt  }
.Lfunc_end0:
.L_simem_size_0:
called_computation.3_lowered:
.L_overlay_start_0:
0x88: {  	s2 =	sld [smem:$0x3FD9]  }
0x89: {  	s3 =	sld [smem:$0x3FFE];
	_ =	sdelay $0x1  }
0x8a: {  	s1 =	srdreg.scid  }
0x8b: {  	s0 =	sand.u32 $0x1, s1  }
0x8c: {  	s17 =	sshll.u32 s0, $0xA;
	s2 =	sadd.s32 s3, s2  }
0x8d: {  	s2 =	sadd.s32 s2, s17  }
0x8e: {  	[smem:$0x3FC1] =	sst s2  }
0x8f: {  	_ = 	snop  }
0x90: {  	(tm) =	ssettm $0x1  }
0x91: {  	s18 =	sld [smem:$0x3FFB];
	_ =	sdelay $0x3  }
0x92: {  	_ =	strace s18  }
0x93: {  	s2 =	sld [smem:$0x3FFC];
	_ =	sdelay $0x3  }
0x94: {  	_ =	strace s2  }
0x95: {  	s2 =	sld [smem:$0x3FFD];
	_ =	sdelay $0x3  }
0x96: {  	_ =	strace s2  }
0x97: {  	_ =	strace $0x8FFFFFFF  }
0x98: {  	s19 =	sld [smem:$0x3FDB];
	_ =	sdelay $0x1  }
0x99: {  	s20 =	simm.s32 $_scs_section_size  }
0x9a: {  	s4 =	simm.s32 $_size__tile_overlayer_lowered;
	s5 =	simm.s32 $_tile_overlayer_lowered  }
0x9b: {  	s6 =	simm.s32 $0x1BFF;
	s21 =	sshll.u32 s5, $0x1;
	s3 =	sadd.s32 s20, s19  }
0x9c: {  	s22 =	simm.s32 $0x0;
	s4 =	sshll.u32 s4, $0x1;
	s5 =	sadd.s32 s21, s3  }
0x9d: {  	[timem:s22], [sflag:s6] =	dma.local [hbm:s5], s4  }
0x9e: {  	_ =	swait.ge [sflag:s6], s4  }
0x9f: {  	s4 =	ssub.s32 $0x0, s4;
	[sflag:s6] =	ssyncset.done $0x0  }
0xa0: {  	[sflag:s6] =	ssyncadd.s32 s4;
	_ =	sdelay $0x1  }
0xa1: {  	s23 =	simm.s32 $0x1B8B  }
0xa2: {  	_ =	swait.ge [sflag:s23], $0x1  }
0xa3: {  	[sflag:s23] =	ssyncset.done $0x0  }
0xa4: {  	[sflag:s23] =	ssyncadd.s32 $0xFFFFFFFF  }
0xa5: {  	s4 =	sld [smem:$0x0]  }
0xa6: {  	s5 =	sand.u32 $0xFFFFFFFE, s1  }
0xa7: {  	p0 =	sne.s32 s1, s5  }
0xa8: {  	s5 =	sshll.u32 @p0 s5, $0xE  }
0xa9: {  	s5 =	sadd.s32 @p0 $0x11B8D, s5;
	s6 =	sshll.u32 @p0 s4, $0x11  }
0xaa: {  	s5 =	sor.u32 @p0 s6, s5  }
0xab: {  	[sflag:s5] =	ssyncadd.remote.s32 @p0 $0x1;
	_ =	sdelay $0x1  }
0xac: {  	s5 =	simm.s32 @p0 $0x1B8D  }
0xad: {  	_ =	swait.eq @p0 [sflag:s5], $0x1  }
0xae: {  	[sflag:s5] =	ssyncadd.s32 @p0 $0xFFFFFFFF  }
0xaf: {  	s6 =	sshll.u32 @!p0 s1, $0xE  }
0xb0: {  	s6 =	sor.u32 @!p0 $0x4000, s6;
	s5 =	simm.s32 @!p0 $0x1B8D  }
0xb1: {  	s4 =	sshll.u32 @!p0 s4, $0x11;
	s6 =	sadd.s32 @!p0 $0x11B8D, s6;
	_ =	swait.eq @!p0 [sflag:s5], $0x1  }
0xb2: {  	s4 =	sor.u32 @!p0 s4, s6;
	[sflag:s5] =	ssyncadd.s32 @!p0 $0xFFFFFFFF  }
0xb3: {  	s25 =	simm.s32 $0x1B8E;
	s24 =	sld [smem:$0x3FFE];
	[sflag:s4] =	ssyncadd.remote.s32 @!p0 $0x1  }
0xb4: {  	s26 =	simm.s32 $execute0_lowered;
	[smem:$0x3FD2] =	sst s25  }
0xb5: {  	s5 =	sshll.u32 s26, $0x1;
	_ =	strace $0x8000004F;
	[dreg:$0x1] =	wrdreg $0xFFFFFFFF  }
0xb6: {  	s28 =	simm.s32 $_size_execute0_lowered;
	s3 =	sadd.s32 s3, s5;
	[dreg:$0x0] =	wrdreg $0x0  }
0xb7: {  	s5 =	sshll.u32 s28, $0x1;
	[dreg:$0x2] =	wrdreg s3  }
0xb8: {  	[dreg:$0x3] =	wrdreg s5  }
0xb9: {  	[dreg:$0x4] =	wrdreg $0xC0  }
0xba: {  	_ =	task [dreg:s22], $0x5FFFF  }
0xbb: {  	[dreg:$0x1] =	wrdreg $0xFFFFFFFF  }
0xbc: {  	[dreg:$0x0] =	wrdreg $0x60  }
0xbd: {  	[dreg:$0x2] =	wrdreg s24  }
0xbe: {  	[dreg:$0x3] =	wrdreg $0xA  }
0xbf: {  	_ =	task.clear_ibuf [dreg:s22], $0x4FFFF;
	_ =	strace $0x9000004F  }
0xc0: {  	s29 =	simm.s32 $0xA;
	_ =	strace $0x80000051  }
0xc1: {  	_ =	swait.ge [sflag:s29], $0x1  }
0xc2: {  	[sflag:s29] =	ssyncadd.s32 $0xFFFFFFFF  }
0xc3: {  	_ =	strace $0x90000051  }
0xc4: {  	_ =	sfence  }
0xc5: {  	s30 =	sld [smem:$0x0];
	_ =	sdelay $0x2  }
0xc6: {  	s31 =	sshll.u32 s1, $0xD;
	s1 =	sshrl.u32 s1, $0x2  }
0xc7: {  	s4 =	sand.u32 $0x4000, s31;
	s1 =	sadd.s32 s1, s30  }
0xc8: {  	s0 =	sor.u32 s4, s0;
	s1 =	sshll.u32 s1, $0x11  }
0xc9: {  	s0 =	sor.u32 s1, s0  }
0xca: {  	s0 =	sadd.s32 $0x8F2B, s0  }
0xcb: {  	[sflag:s0] =	ssyncadd.remote.s32 $0x1  }
0xcc: {  	_ =	sfence.sel $0xFFFF  }
0xcd: {  	[dreg:$0x0] =	wrdreg $0xFFFFFFFF;
	(pc) =	sbr.abs _section_cstart, $3  }
0xce: {  	[dreg:$0x1] =	wrdreg $0xFFFFFFFF  }
0xcf: {  	_ =	task.clear_ibuf [dreg:s22], $0x2FFFF;
	_ =	strace $0x9FFFFFFF  }
0xd0: {  	(tm) =	ssettm $0x7FFFFFFF  }
0xd1: {  	_ =	shalt  }
tec
execute0_lowered:
.L_overlay_start_1:
0x0: {  	(tag) =	ssettag $0x1  }
0x1: {  	s4 =	rddreg [dreg:$0x0]  }
0x2: {  	s0 =	rddreg [dreg:$0x1]  }
0x3: {  	s3 =	srdreg.scid;
	s2 =	simm.s32 $0x0;
	s1 =	stileid.u32  }
0x4: {  	s10 =	simm.s32 $0x1;
	s11 =	simm.s32 $0x0;
	s5 =	sand.u32 $0x1, s3  }
0x5: {  	[smem:$0x7FF] =	sst s2;
	s29 =	sshll.u32 s1, $0xE;
	s3 =	sadd.s32 $0x2C00, s4  }
0x6: {  	s8 =	sshll.u32 s1, $0x11;
	s6 =	sshll.u32 s5, $0xD;
	_ =	strace $0x80000050  }
0x7: {  	s7 =	ssub.s32 $0x2, s5;
	s8 =	sadd.s32 s8, s4;
	s30 =	sshll.u32 s5, $0x10  }
0x8: {  	s6 =	sor.u32 s6, s29;
	s9 =	sshrl.u32 s7, $0x1;
	s31 =	sadd.s32 s30, s8  }
0x9: {  	s8 =	simm.s32 $0x80;
	s6 =	sshrl.u32 s6, $0x3;
	s7 =	ssub.s32 s7, s9  }
0xa: {  	s9 =	simm.s32 $0x2000;
	s6 =	sadd.s32 s6, s4;
	s5 =	smax.u32 s7, $0x1  }
0xb: {  	s7 =	simm.s32 $0x2;
	s4 =	sadd.s32 $0x43400, s6;
	s6 =	sadd.s32 $0x4B400, s31  }
.LBB2_1:
0xc: {  	[tilespmem:s2], [sflag:$0x2] =	stream.linear.gather [hbm4b:s4+s2], $0x2000, $0x38;
	[tilespmem:$0x4000] =	vst v63  }
0xd: {  	_ =	swait.ge [sflag:s7], $0x2000  }
0xe: {  	[sflag:s7] =	ssyncset.done $0x0  }
0xf: {  	s12 =	simm.s32 $0x0;
	[sflag:s7] =	ssyncadd.s32 $0xFFFFE000  }
0x10: {  	[tilespmem:s9], [sflag:$0x1] =	stream.indirect.gather [hbm4b:s3+s8], $0x40, s12, s8, $0xb8;
	[tilespmem:$0x4000] =	vst v63  }
0x11: {  	_ =	swait.ge [sflag:s10], $0x2000  }
0x12: {  	[sflag:s10] =	ssyncset.done $0x0  }
0x13: {  	[sflag:s10] =	ssyncadd.s32 $0xFFFFE000  }
0x14: {  	[hbm4b:s6+s2] =	stream.linear.scatter [tilespmem:s9], [sflag:$0x2], $0x2000, $0x38;
	[tilespmem:$0x4000] =	vst v63  }
0x15: {  	s13 =	simm.s32 $0x200;
	_ =	swait.ge [sflag:s7], $0x2000  }
0x16: {  	s14 =	simm.s32 $0x400;
	s12 =	sadd.s32 $0x400, s6;
	[sflag:s7] =	ssyncset.done $0x0  }
.LBB2_2:
0x17: {  	s15 =	sshra.s32 s13, $0x2  }
0x18: {  	[sflag:s7] =	ssyncadd.s32 $0xFFFFE000;
	s13 =	smov.u32 s14;
	s16 =	sadd.s32 $0x200, s14  }
0x19: {  	[tilespmem:s9], [sflag:$0x1] =	stream.indirect.gather [hbm4b:s3+s8], $0x40, s15, s8, $0xb8;
	[tilespmem:$0x4000] =	vst v63  }
0x1a: {  	p0 =	sne.s32 s14, $0x7E00;
	_ =	swait.ge [sflag:s10], $0x2000  }
.Ltmp0:
0x1b: {  	[sflag:s10] =	ssyncset.done $0x0;
	(pc) =	sbr.rel @p0 .LBB2_2-.Ltmp0, $4  }
0x1c: {  	[sflag:s10] =	ssyncadd.s32 $0xFFFFE000  }
0x1d: {  	[hbm4b:s12+s2] =	stream.linear.scatter [tilespmem:s9], [sflag:$0x2], $0x2000, $0x38;
	[tilespmem:$0x4000] =	vst v63  }
0x1e: {  	_ =	swait.ge [sflag:s7], $0x2000  }
0x1f: {  	s14 =	smov.u32 s16;
	s12 =	sadd.s32 $0x400, s12;
	[sflag:s7] =	ssyncset.done $0x0  }
0x20: {  	s13 =	sshra.s32 s13, $0x2;
	[sflag:s7] =	ssyncadd.s32 $0xFFFFE000  }
0x21: {  	[tilespmem:s9], [sflag:$0x1] =	stream.indirect.gather [hbm4b:s3+s8], $0x40, s13, s8, $0xb8;
	[tilespmem:$0x4000] =	vst v63  }
0x22: {  	s11 =	sadd.s32 $0x1, s11;
	_ =	swait.ge [sflag:s10], $0x2000  }
0x23: {  	p0 =	sne.s32 s11, s5;
	[sflag:s10] =	ssyncset.done $0x0  }
.Ltmp1:
0x24: {  	[sflag:s10] =	ssyncadd.s32 $0xFFFFE000;
	(pc) =	sbr.rel @p0 .LBB2_1-.Ltmp1, $4  }
0x25: {  	[hbm4b:s12+s2] =	stream.linear.scatter [tilespmem:s9], [sflag:$0x2], $0x2000, $0x38;
	[tilespmem:$0x4000] =	vst v63  }
0x26: {  	_ =	swait.ge [sflag:s7], $0x2000  }
0x27: {  	[sflag:s7] =	ssyncset.done $0x0  }
0x28: {  	[sflag:s7] =	ssyncadd.s32 $0xFFFFE000  }
0x29: {  	_ =	sfence.sel $0x180000  }
0x2a: {  	[bflag:$0x0] =	sbarrier.arrive $0xFFFF  }
0x2b: {  	p0 =	sne.s32 s1, $0x0;
	_ =	strace $0x90000050  }
0x2c: {  	s0 =	sadd.s32 @!p0 $0x100000, s0;
	[bflag:$0x2] =	sbarrier.arrive $0xFFFF  }
0x2d: {  	[sflag:s0] =	ssyncadd.tile.s32 @!p0 $0x1;
	_ =	shalt  }
.Lfunc_end2:
_tile_overlayer_lowered:
.L_overlay_start_2:
0x2e: {  	(tag) =	ssettag $0x2  }
0x2f: {  	s0 =	rddreg [dreg:$0x0];
	s2 =	stileid.u32  }
0x30: {  	s1 =	rddreg [dreg:$0x1];
	p0 =	sne.s32 s2, $0x0  }
0x31: {  	s3 =	rddreg [dreg:$0x2];
	[bflag:$0x3] =	sbarrier.arrive $0xFFFF;
	s2 =	simm.s32 @!p0 $0x1C02  }
0x32: {  	[timem:s3], [sflag:s2] =	dma.local @!p0 [hbm:s0], s1  }
0x33: {  	s0 =	simm.s32 @!p0 $0x2  }
0x34: {  	_ =	swait.ge @!p0 [sflag:s0], s1  }
0x35: {  	s1 =	ssub.s32 @!p0 $0x0, s1;
	[sflag:s0] =	ssyncset.done @!p0 $0x0  }
0x36: {  	[sflag:s0] =	ssyncadd.s32 @!p0 s1  }
0x37: {  	[bflag:$0x3] =	sbarrier.arrive $0xFFFF  }
0x38: {  	_ =	shalt  }

// kernel: kernel.7.cloned.1.call-start
scs
__scs_entry_jumppad:
0x0: {  	(pc) =	sbr.rel $0x88, $3  }
0x1: {  	(tag) =	ssettag $0x0;
	lr =	simm.s32 $0x1  }
0x2: {  	[smem:$0x3F9A] =	sst lr;
	_ =	strace $0xD0000000  }
0x3: {  	_ = 	snop  }
0x4: {  	_ = 	snop  }
0x5: {  	_ = 	snop  }
0x6: {  	_ = 	snop  }
0x7: {  	_ = 	snop  }
__scs_overlays_trampoline_lowered:
0x8: {  	[smem:$0x3FA9] =	sst s0  }
0x9: {  	[smem:$0x3FAA] =	sst s1  }
0xa: {  	[smem:$0x3FAB] =	sst s2  }
0xb: {  	[smem:$0x3FAC] =	sst s3  }
0xc: {  	[smem:$0x3FAD] =	sst s4  }
0xd: {  	[smem:$0x3FAE] =	sst s5  }
0xe: {  	[smem:$0x3FAF] =	sst s6  }
0xf: {  	[smem:$0x3FB0] =	sst s7  }
0x10: {  	[smem:$0x3FB1] =	sst s8  }
0x11: {  	[smem:$0x3FB2] =	sst s9;
	s0 =	simm.s32 @!p0 $0x0  }
0x12: {  	s1 =	sld [smem:$0x3F98];
	s0 =	simm.s32 @p0 $0x1  }
0x13: {  	[smem:$0x3FB3] =	sst s0;
	s0 =	simm.s32 @!p1 $0x0  }
0x14: {  	s2 =	sld [smem:$0x3F97];
	s0 =	simm.s32 @p1 $0x1  }
0x15: {  	[smem:$0x3FB4] =	sst s0;
	s0 =	simm.s32 @!p2 $0x0  }
0x16: {  	s3 =	sld [smem:$0x3FDB];
	s0 =	simm.s32 @p2 $0x1  }
0x17: {  	s4 =	simm.s32 $0x1BF5;
	[smem:$0x3FB6] =	sst s0  }
0x18: {  	s0 =	sld [smem:$0x3F99];
	_ =	swait.ge [sflag:s4], $0x0  }
0x19: {  	s7 =	sld [smem:$0x3F9A]  }
0x1a: {  	s8 =	sadd.s32 $0xFFFFE003, lr  }
0x1b: {  	s9 =	sadd.s32 $0xFFFFFEF7, lr;
	s5 =	simm.s32 $0xFFFFFFFF;
	p2 =	slt.u32 s8, $0xFFFFF086  }
0x1c: {  	p1 =	slt.u32 s9, $0xF7A;
	s5 =	simm.s32 @!p2 $0x0  }
0x1d: {  	s5 =	simm.s32 @p1 $0x1;
	p0 =	seq.s32 s7, s2  }
0x1e: {  	s7 =	smul.u32 @!p0 $0xF7A, s2;
	p2 =	seq.s32 @!p0 s5, $0x0  }
0x1f: {  	s9 =	smul.u32 $0xF7A, s1;
	s8 =	simm.s32 @!p0 $0x1BF5;
	p2 =	por !p2, p0  }
0x20: {  	[sflag:s8] =	ssyncset.s32 @!p0 $0xFFFFF086;
	s6 =	sadd.s32 @!p0 s3, s7;
	s7 =	simm.s32 @!p0 $0x108  }
0x21: {  	s3 =	sadd.s32 s3, s9;
	s6 =	sadd.s32 @!p0 $0x88, s6;
	s7 =	simm.s32 @p2 $0x1082  }
0x22: {  	[simem:s7], [sflag:s8] =	dma.local @!p0 [hbm:s6], $0xF7A  }
0x23: {  	s9 =	sor.u32 $0xD0000000, s2;
	s6 =	simm.s32 $0x108;
	_ =	swait.ge @!p0 [sflag:s8], $0x0  }
0x24: {  	s3 =	sadd.s32 $0x88, s3;
	s6 =	simm.s32 @!p1 $0x1082;
	[sflag:s4] =	ssyncset.s32 $0xFFFFF086  }
0x25: {  	[simem:s6], [sflag:s4] =	dma.local [hbm:s3], $0xF7A  }
0x26: {  	[smem:$0x3F9A] =	sst s1;
	(tag) =	ssettag s2;
	_ =	strace s9  }
0x27: {  	s1 =	sld [smem:$0x3FAA]  }
0x28: {  	s2 =	sld [smem:$0x3FAB]  }
0x29: {  	s4 =	sld [smem:$0x3FAD]  }
0x2a: {  	p0 =	seq.s32 s5, $0x0;
	s5 =	sld [smem:$0x3FAE]  }
0x2b: {  	s6 =	sld [smem:$0x3FAF]  }
0x2c: {  	s7 =	sld [smem:$0x3FB0]  }
0x2d: {  	s3 =	simm.s32 $0x108;
	s8 =	sld [smem:$0x3FB1]  }
0x2e: {  	s3 =	simm.s32 @!p0 $0x1082;
	s9 =	sld [smem:$0x3FB2]  }
0x2f: {  	lr =	sadd.s32 s0, s3;
	s0 =	sld [smem:$0x3FA9]  }
0x30: {  	s3 =	sld [smem:$0x3FAC]  }
0x31: {  	[smem:$0x3FB5] =	sst s10  }
0x32: {  	s10 =	sld [smem:$0x3FB3];
	_ =	sdelay $0x3  }
0x33: {  	p0 =	seq.s32 s10, $0x1;
	s10 =	sld [smem:$0x3FB5];
	_ =	sdelay $0x3  }
0x34: {  	[smem:$0x3FB5] =	sst s10  }
0x35: {  	s10 =	sld [smem:$0x3FB4];
	_ =	sdelay $0x3  }
0x36: {  	p1 =	seq.s32 s10, $0x1;
	s10 =	sld [smem:$0x3FB5];
	_ =	sdelay $0x3  }
0x37: {  	[smem:$0x3FB5] =	sst s10  }
0x38: {  	s10 =	sld [smem:$0x3FB6]  }
0x39: {  	_ = 	snop;
	(pc) =	sbr.ind lr, $3  }
0x3a: {  	_ = 	snop  }
0x3b: {  	_ = 	snop  }
0x3c: {  	p2 =	seq.s32 s10, $0x1;
	s10 =	sld [smem:$0x3FB5]  }
0x3d: {  	_ =	shalt  }
0x3e: {  	_ =	shalt  }
0x3f: {  	_ =	shalt  }
0x40: {  	_ =	shalt  }
0x41: {  	_ =	shalt  }
0x42: {  	_ =	shalt  }
0x43: {  	_ =	shalt  }
0x44: {  	_ =	shalt  }
0x45: {  	_ =	shalt  }
0x46: {  	_ =	shalt  }
0x47: {  	_ =	shalt  }
0x48: {  	_ =	shalt  }
0x49: {  	_ =	shalt  }
0x4a: {  	_ =	shalt  }
0x4b: {  	_ =	shalt  }
0x4c: {  	_ =	shalt  }
0x4d: {  	_ =	shalt  }
0x4e: {  	_ =	shalt  }
0x4f: {  	_ =	shalt  }
0x50: {  	_ =	shalt  }
0x51: {  	_ =	shalt  }
0x52: {  	_ =	shalt  }
0x53: {  	_ =	shalt  }
0x54: {  	_ =	shalt  }
0x55: {  	_ =	shalt  }
0x56: {  	_ =	shalt  }
0x57: {  	_ =	shalt  }
0x58: {  	_ =	shalt  }
0x59: {  	_ =	shalt  }
0x5a: {  	_ =	shalt  }
0x5b: {  	_ =	shalt  }
0x5c: {  	_ =	shalt  }
0x5d: {  	_ =	shalt  }
0x5e: {  	_ =	shalt  }
0x5f: {  	_ =	shalt  }
0x60: {  	_ =	shalt  }
0x61: {  	_ =	shalt  }
0x62: {  	_ =	shalt  }
0x63: {  	_ =	shalt  }
0x64: {  	_ =	shalt  }
0x65: {  	_ =	shalt  }
0x66: {  	_ =	shalt  }
0x67: {  	_ =	shalt  }
0x68: {  	_ =	shalt  }
0x69: {  	_ =	shalt  }
0x6a: {  	_ =	shalt  }
0x6b: {  	_ =	shalt  }
0x6c: {  	_ =	shalt  }
0x6d: {  	_ =	shalt  }
0x6e: {  	_ =	shalt  }
0x6f: {  	_ =	shalt  }
0x70: {  	_ =	shalt  }
0x71: {  	_ =	shalt  }
0x72: {  	_ =	shalt  }
0x73: {  	_ =	shalt  }
0x74: {  	_ =	shalt  }
0x75: {  	_ =	shalt  }
0x76: {  	_ =	shalt  }
0x77: {  	_ =	shalt  }
0x78: {  	_ =	shalt  }
0x79: {  	_ =	shalt  }
0x7a: {  	_ =	shalt  }
0x7b: {  	_ =	shalt  }
0x7c: {  	_ =	shalt  }
0x7d: {  	_ =	shalt  }
0x7e: {  	_ =	shalt  }
0x7f: {  	_ =	shalt  }
0x80: {  	_ =	shalt  }
0x81: {  	_ =	shalt  }
0x82: {  	_ =	shalt  }
0x83: {  	_ =	shalt  }
0x84: {  	_ =	shalt  }
0x85: {  	_ =	shalt  }
0x86: {  	_ =	shalt  }
0x87: {  	_ =	shalt  }
.Lfunc_end0:
.L_simem_size_0:
called_computation.2_lowered:
.L_overlay_start_0:
0x88: {  	s2 =	sld [smem:$0x3FD9]  }
0x89: {  	s3 =	sld [smem:$0x3FFE];
	_ =	sdelay $0x1  }
0x8a: {  	s1 =	srdreg.scid  }
0x8b: {  	s0 =	sand.u32 $0x1, s1  }
0x8c: {  	s14 =	sshll.u32 s0, $0xA;
	s2 =	sadd.s32 s3, s2  }
0x8d: {  	s2 =	sadd.s32 s2, s14  }
0x8e: {  	[smem:$0x3FC1] =	sst s2  }
0x8f: {  	_ = 	snop  }
0x90: {  	s2 =	sld [smem:$0x3FD0];
	_ =	sdelay $0x2  }
0x91: {  	s15 =	simm.s32 $0xB;
	s4 =	simm.s32 $0x10  }
0x92: {  	[smem:s4], [sflag:s15] =	dma.local [hbm:s2], $0x1  }
0x93: {  	_ =	swait.eq [sflag:s15], $0x1  }
0x94: {  	[sflag:s15] =	ssyncset.done $0x0  }
0x95: {  	[sflag:s15] =	ssyncadd.s32 $0xFFFFFFFF  }
0x96: {  	s16 =	sld [smem:$0x11];
	(tm) =	ssettm $0x1  }
0x97: {  	s17 =	sld [smem:$0x3FFB];
	_ =	sdelay $0x3  }
0x98: {  	_ =	strace s17  }
0x99: {  	s3 =	sld [smem:$0x3FFC];
	_ =	sdelay $0x3  }
0x9a: {  	_ =	strace s3  }
0x9b: {  	s3 =	sld [smem:$0x3FFD];
	_ =	sdelay $0x3  }
0x9c: {  	_ =	strace s3  }
0x9d: {  	_ =	strace $0x8FFFFFFF  }
0x9e: {  	s18 =	sld [smem:$0x3FDB];
	_ =	sdelay $0x1  }
0x9f: {  	s19 =	simm.s32 $_scs_section_size  }
0xa0: {  	s5 =	simm.s32 $_size__tile_overlayer_lowered;
	s6 =	simm.s32 $_tile_overlayer_lowered  }
0xa1: {  	s22 =	simm.s32 $0x1BFF;
	s21 =	sshll.u32 s6, $0x1;
	s3 =	sadd.s32 s19, s18  }
0xa2: {  	s7 =	simm.s32 $0x0;
	s20 =	sshll.u32 s5, $0x1;
	s5 =	sadd.s32 s21, s3  }
0xa3: {  	[timem:s7], [sflag:s22] =	dma.local [hbm:s5], s20  }
0xa4: {  	_ =	swait.ge [sflag:s22], s20  }
0xa5: {  	s4 =	ssub.s32 $0x0, s20;
	[sflag:s22] =	ssyncset.done $0x0  }
0xa6: {  	[sflag:s22] =	ssyncadd.s32 s4;
	_ =	sdelay $0x1  }
0xa7: {  	s23 =	simm.s32 $0x1B8B  }
0xa8: {  	_ =	swait.ge [sflag:s23], $0x1  }
0xa9: {  	[sflag:s23] =	ssyncset.done $0x0  }
0xaa: {  	s25 =	simm.s32 $0x1B8E;
	s24 =	sld [smem:$0x3FFE];
	[sflag:s23] =	ssyncadd.s32 $0xFFFFFFFF  }
0xab: {  	s26 =	simm.s32 $execute0_lowered;
	[smem:$0x3FD2] =	sst s25  }
0xac: {  	s5 =	sshll.u32 s26, $0x1;
	_ =	strace $0x80000049;
	[dreg:$0x1] =	wrdreg $0xFFFFFFFF  }
0xad: {  	s28 =	simm.s32 $_size_execute0_lowered;
	s3 =	sadd.s32 s3, s5;
	[dreg:$0x0] =	wrdreg $0x0  }
0xae: {  	s5 =	sshll.u32 s28, $0x1;
	[dreg:$0x2] =	wrdreg s3  }
0xaf: {  	[dreg:$0x3] =	wrdreg s5  }
0xb0: {  	[dreg:$0x4] =	wrdreg $0xC0  }
0xb1: {  	_ =	task [dreg:s7], $0x5FFFF  }
0xb2: {  	[dreg:$0x1] =	wrdreg $0xFFFFFFFF  }
0xb3: {  	[dreg:$0x0] =	wrdreg $0x60  }
0xb4: {  	[dreg:$0x2] =	wrdreg s24  }
0xb5: {  	[dreg:$0x3] =	wrdreg s16  }
0xb6: {  	[dreg:$0x4] =	wrdreg $0xA  }
0xb7: {  	_ =	task.clear_ibuf [dreg:s7], $0x5FFFF;
	_ =	strace $0x90000049  }
0xb8: {  	s29 =	simm.s32 $0xA;
	_ =	strace $0x8000004B  }
0xb9: {  	_ =	swait.ge [sflag:s29], $0x1  }
0xba: {  	[sflag:s29] =	ssyncadd.s32 $0xFFFFFFFF  }
0xbb: {  	_ =	strace $0x9000004B  }
0xbc: {  	_ =	sfence  }
0xbd: {  	s30 =	sld [smem:$0x0];
	_ =	sdelay $0x2  }
0xbe: {  	s31 =	sshll.u32 s1, $0xD;
	s1 =	sshrl.u32 s1, $0x2  }
0xbf: {  	s3 =	sand.u32 $0x4000, s31;
	s1 =	sadd.s32 s1, s30  }
0xc0: {  	s0 =	sor.u32 s3, s0;
	s1 =	sshll.u32 s1, $0x11  }
0xc1: {  	s0 =	sor.u32 s1, s0  }
0xc2: {  	s0 =	sadd.s32 $0x8F2B, s0  }
0xc3: {  	[sflag:s0] =	ssyncadd.remote.s32 $0x1  }
0xc4: {  	_ =	sfence.sel $0xFFFF  }
0xc5: {  	[dreg:$0x0] =	wrdreg $0xFFFFFFFF;
	(pc) =	sbr.abs _section_cstart, $3  }
0xc6: {  	[dreg:$0x1] =	wrdreg $0xFFFFFFFF  }
0xc7: {  	_ =	task.clear_ibuf [dreg:s7], $0x2FFFF;
	_ =	strace $0x9FFFFFFF  }
0xc8: {  	(tm) =	ssettm $0x7FFFFFFF  }
0xc9: {  	_ =	shalt  }
tec
execute0_lowered:
.L_overlay_start_1:
0x0: {  	(tag) =	ssettag $0x1  }
0x1: {  	s0 =	rddreg [dreg:$0x0];
	s3 =	simm.s32 $0x0  }
0x2: {  	s5 =	srdreg.scid;
	s1 =	stileid.u32;
	s12 =	simm.s32 $0x1  }
0x3: {  	s14 =	simm.s32 $0x16100;
	s15 =	simm.s32 $0x8000;
	s16 =	simm.s32 $0x16180  }
0x4: {  	s17 =	simm.s32 $0x16200;
	s18 =	simm.s32 $0x14080;
	s19 =	simm.s32 $0x16080  }
0x5: {  	s20 =	simm.s32 $0x0;
	[smem:$0x7FF] =	sst s3;
	s4 =	sadd.s32 $0x2400, s0  }
0x6: {  	s6 =	sand.u32 $0x1, s5;
	s7 =	sshll.u32 s1, $0x1;
	s5 =	sadd.s32 $0x1C00, s0  }
0x7: {  	_ =	strace $0x8000004A;
	s7 =	sor.u32 s6, s7;
	s6 =	ssub.s32 $0x2, s6  }
0x8: {  	v0 =	vlaneseq.u32;
	s8 =	sshll.u32 s7, $0xA;
	s7 =	sshll.u32 s7, $0x4;
	s9 =	sshrl.u32 s6, $0x1  }
0x9: {  	v1 =	vor.u32 $0x80000030, v0;
	s10 =	sadd.s32 s8, s0;
	s0 =	sadd.s32 s7, s0;
	s11 =	ssub.s32 s6, s9  }
0xa: {  	v2 =	vor.u32 $0x80000020, v0;
	s6 =	sadd.s32 $0x43000, s0;
	s7 =	sadd.s32 $0x42E00, s0;
	s8 =	sadd.s32 $0x42C00, s0  }
0xb: {  	v3 =	vor.u32 $0x80000010, v0;
	v4 =	vor.u32 $0x80000000, v0;
	s9 =	sadd.s32 $0x43400, s10;
	s10 =	sadd.s32 $0x43200, s0;
	s11 =	smax.u32 s11, $0x1  }
.LBB2_1:
0xc: {  	s0 =	rddreg [dreg:$0x1]  }
0xd: {  	[tilespmem:s3], [sflag:$0x1] =	stream.linear.gather [hbm4b:s0+s3], $0x4000, $0x38;
	[tilespmem:$0x16280] =	vst v63  }
0xe: {  	_ =	swait.ge [sflag:s12], $0x4000  }
0xf: {  	[sflag:s12] =	ssyncset.done $0x0  }
0x10: {  	s31 =	simm.s32 $0x4000;
	[sflag:s12] =	ssyncadd.s32 $0xFFFFC000  }
0x11: {  	[tilespmem:s31], [sflag:$0x1] =	stream.linear.gather [hbm4b:s4+s3], $0x4000, $0x38;
	[tilespmem:$0x16280] =	vst v63  }
0x12: {  	_ =	swait.ge [sflag:s12], $0x4000  }
0x13: {  	[sflag:s12] =	ssyncset.done $0x0  }
0x14: {  	[sflag:s12] =	ssyncadd.s32 $0xFFFFC000  }
0x15: {  	[tilespmem:s15], [sflag:$0x1] =	stream.linear.gather [hbm4b:s5+s3], $0x4000, $0x38;
	[tilespmem:$0x16280] =	vst v63  }
0x16: {  	_ =	swait.ge [sflag:s12], $0x4000  }
0x17: {  	[sflag:s12] =	ssyncset.done $0x0  }
0x18: {  	[sflag:s12] =	ssyncadd.s32 $0xFFFFC000  }
0x19: {  	[tilespmem:s14], [sflag:$0x1] =	stream.linear.gather [hbm4b:s6+s3], $0x80, $0x38;
	[tilespmem:$0x16280] =	vst v63  }
0x1a: {  	_ =	swait.ge [sflag:s12], $0x80  }
0x1b: {  	[sflag:s12] =	ssyncset.done $0x0  }
0x1c: {  	[sflag:s12] =	ssyncadd.s32 $0xFFFFFF80  }
0x1d: {  	[tilespmem:s16], [sflag:$0x1] =	stream.linear.gather [hbm4b:s7+s3], $0x80, $0x38;
	[tilespmem:$0x16280] =	vst v63  }
0x1e: {  	_ =	swait.ge [sflag:s12], $0x80  }
0x1f: {  	[sflag:s12] =	ssyncset.done $0x0  }
0x20: {  	[sflag:s12] =	ssyncadd.s32 $0xFFFFFF80  }
0x21: {  	[tilespmem:s17], [sflag:$0x1] =	stream.linear.gather [hbm4b:s8+s3], $0x80, $0x38;
	[tilespmem:$0x16280] =	vst v63  }
0x22: {  	_ =	swait.ge [sflag:s12], $0x80  }
0x23: {  	[sflag:s12] =	ssyncset.done $0x0  }
0x24: {  	s21 =	simm.s32 $0x0;
	[sflag:s12] =	ssyncadd.s32 $0xFFFFFF80  }
0x25: {  	v5 =	vld [tilespmem:s21+$0x0];
	_ =	sdelay $0x1  }
0x26: {  	v6 =	vld [tilespmem:s21+$0x4000]  }
0x27: {  	v7 =	vld [tilespmem:s21+$0x8000];
	_ =	sdelay $0x1  }
0x28: {  	v8 =	vshrl.u32 v5, $0x10  }
0x29: {  	v8 =	vand.u32 $0x1, v8  }
0x2a: {  	v9 =	vmul.f32 v5, v5;
	v10 =	vshrl.u32 v6, $0x10;
	v5 =	vadd.s32 v8, v5  }
0x2b: {  	v8 =	vand.u32 $0x1, v10;
	v10 =	vshrl.u32 v7, $0x10;
	v5 =	vadd.s32 $0x7FFF, v5  }
0x2c: {  	v8 =	vadd.s32 v8, v6;
	v10 =	vand.u32 $0x1, v10;
	v6 =	vmul.f32 v6, v6  }
0x2d: {  	v5 =	vand.u32 $0xFFFF0000, v5;
	v8 =	vadd.s32 $0x7FFF, v8;
	v10 =	vadd.s32 v10, v7  }
0x2e: {  	s22 =	simm.s32 $0x10;
	[tilespmem:s21+$0x0] =	vst v5;
	v8 =	vand.u32 $0xFFFF0000, v8;
	v10 =	vadd.s32 $0x7FFF, v10  }
0x2f: {  	s23 =	simm.s32 $0x80;
	v7 =	vmul.f32 v7, v7;
	v6 =	vadd.f32 v6, v9;
	v5 =	vld [tilespmem:s22+$0x0];
	[tilespmem:s21+$0x4000] =	vst v8;
	v8 =	vand.u32 $0xFFFF0000, v10  }
.LBB2_2:
0x30: {  	p0 =	sne.s32 s23, $0xFFC0;
	v9 =	vld [tilespmem:s22+$0x4000];
	[tilespmem:s21+$0x8000] =	vst v8  }
0x31: {  	v8 =	vld [tilespmem:s22+$0x8000];
	v6 =	vadd.f32 v7, v6;
	_ =	sdelay $0x1  }
0x32: {  	[tilespmem:s21+$0xC000] =	vst v6;
	s21 =	smov.u32 s22  }
0x33: {  	v6 =	vmul.f32 v5, v5;
	v7 =	vshrl.u32 v5, $0x10  }
0x34: {  	v10 =	vmul.f32 v9, v9;
	v7 =	vand.u32 $0x1, v7;
	v11 =	vshrl.u32 v9, $0x10  }
.Ltmp0:
0x35: {  	v5 =	vadd.s32 v7, v5;
	v7 =	vand.u32 $0x1, v11;
	v11 =	vshrl.u32 v8, $0x10;
	(pc) =	sbr.rel @p0 .LBB2_2-.Ltmp0, $4  }
0x36: {  	v5 =	vadd.s32 $0x7FFF, v5;
	v7 =	vadd.s32 v7, v9;
	v9 =	vand.u32 $0x1, v11  }
0x37: {  	v5 =	vand.u32 $0xFFFF0000, v5;
	v7 =	vadd.s32 $0x7FFF, v7;
	v9 =	vadd.s32 v9, v8  }
0x38: {  	s22 =	sshra.s32 s23, $0x2;
	v6 =	vadd.f32 v10, v6;
	[tilespmem:s21+$0x0] =	vst v5;
	v10 =	vand.u32 $0xFFFF0000, v7;
	v9 =	vadd.s32 $0x7FFF, v9  }
0x39: {  	s23 =	sadd.s32 $0x40, s23;
	v7 =	vmul.f32 v8, v8;
	v5 =	vld [tilespmem:s22+$0x0];
	[tilespmem:s21+$0x4000] =	vst v10;
	v8 =	vand.u32 $0xFFFF0000, v9  }
0x3a: {  	v9 =	vld [tilespmem:s22+$0x4000]  }
0x3b: {  	[tilespmem:s21+$0x8000] =	vst v8  }
0x3c: {  	v8 =	vld [tilespmem:s22+$0x8000];
	_ =	sdelay $0x1  }
0x3d: {  	v6 =	vadd.f32 v7, v6;
	v7 =	vshrl.u32 v5, $0x10  }
0x3e: {  	v10 =	vmul.f32 v5, v5;
	v7 =	vand.u32 $0x1, v7;
	v11 =	vshrl.u32 v9, $0x10  }
0x3f: {  	v5 =	vadd.s32 v7, v5;
	v7 =	vmul.f32 v9, v9;
	v11 =	vand.u32 $0x1, v11  }
0x40: {  	v63 =	vshrl.u32 v8, $0x10;
	v9 =	vadd.s32 v11, v9;
	v5 =	vadd.s32 $0x7FFF, v5  }
0x41: {  	v11 =	vand.u32 $0x1, v63;
	v5 =	vand.u32 $0xFFFF0000, v5;
	v9 =	vadd.s32 $0x7FFF, v9  }
0x42: {  	[tilespmem:s21+$0xC000] =	vst v6;
	v6 =	vadd.s32 v11, v8;
	v7 =	vadd.f32 v7, v10;
	v8 =	vmul.f32 v8, v8  }
0x43: {  	[tilespmem:s22+$0x0] =	vst v5;
	v5 =	vand.u32 $0xFFFF0000, v9;
	v6 =	vadd.s32 $0x7FFF, v6  }
0x44: {  	[tilespmem:s22+$0x4000] =	vst v5;
	v5 =	vand.u32 $0xFFFF0000, v6;
	v6 =	vadd.f32 v8, v7  }
0x45: {  	[tilespmem:s22+$0x8000] =	vst v5  }
0x46: {  	s21 =	simm.s32 $0x0;
	[tilespmem:s22+$0xC000] =	vst v6  }
.LBB2_4:
0x47: {  	s22 =	sand.u32 $0x70, s21  }
0x48: {  	v5 =	vld [tilespmem:s22+$0x16100]  }
0x49: {  	v6 =	vld [tilespmem:s22+$0x16180]  }
0x4a: {  	s0 =	sand.u32 $0xF, s21  }
0x4b: {  	v7 =	vmov s0;
	v8 =	vld [tilespmem:s22+$0x16200]  }
0x4c: {  	vm0 =	veq.s32 v7, v0  }
0x4d: {  	v5 =	vnsel vm0, $0x0, v5  }
0x4e: {  	(xrf2) =	vadd.scan.msk.f32 $0xffff, v5;
	v5 =	vnsel vm0, $0x0, v6  }
0x4f: {  	(xrf2) =	vadd.scan.msk.f32 $0xffff, v5  }
0x50: {  	v5 =	vnsel vm0, $0x0, v8  }
0x51: {  	(xrf2) =	vadd.scan.msk.f32 $0xffff, v5;
	_ =	sdelay $0x6  }
0x52: {  	v5, _, _ =	vpop (xrf2)  }
0x53: {  	v6, _, _ =	vpop (xrf2)  }
0x54: {  	v7 =	vmul.f32 v5, v5;
	v8 =	vmul.f32 v6, v6  }
0x55: {  	v9, _, _ =	vpop (xrf2)  }
0x56: {  	v5 =	vbroadcast v5, $0xF;
	v7 =	vadd.f32 v8, v7;
	v8 =	vmul.f32 v9, v9  }
0x57: {  	v6 =	vbroadcast v6, $0xF;
	v9 =	vbroadcast v9, $0xF  }
0x58: {  	v7 =	vadd.f32 v8, v7;
	v8 =	vshrl.u32 v5, $0x10  }
0x59: {  	v10 =	vshrl.u32 v6, $0x10;
	v11 =	vshrl.u32 v9, $0x10;
	v8 =	vand.u32 $0x1, v8  }
0x5a: {  	v8 =	vadd.s32 v8, v5;
	v5 =	vand.u32 $0x1, v10;
	v10 =	vand.u32 $0x1, v11  }
0x5b: {  	v6 =	vadd.s32 v5, v6;
	v5 =	vbroadcast v7, $0xF;
	v7 =	vadd.s32 v10, v9  }
0x5c: {  	s23 =	simm.s32 $0x4000;
	s24 =	simm.s32 $0x8000;
	s25 =	simm.s32 $0xC000;
	v8 =	vadd.s32 $0x7FFF, v8;
	v9 =	vadd.s32 $0x7FFF, v6;
	v10 =	vadd.s32 $0x7FFF, v7  }
0x5d: {  	s26 =	simm.s32 $0x10000;
	s28 =	simm.s32 $0x0;
	s29 =	simm.s32 $0x0;
	v6 =	vand.u32 $0xFFFF0000, v8;
	v7 =	vand.u32 $0xFFFF0000, v9;
	v8 =	vand.u32 $0xFFFF0000, v10  }
.LBB2_5:
0x5e: {  	v12 =	vmov s28  }
0x5f: {  	v13 =	vmov s23;
	_ =	sdelay $0x1  }
0x60: {  	v14 =	vmov s24  }
0x61: {  	s30 =	simm.s32 $0x0  }
0x62: {  	v9 =	vimm.f32 $3.000000010e+38;
	v11 =	vmov s25;
	v10 =	vmov s26;
	s31 =	simm.s32 $0x40;
	v15 =	vld.idx.msk [tilespmem:v12+s30+$0x0 ss:$0x1], $0xffff  }
.LBB2_6:
0x63: {  	p0 =	sne.s32 s31, $0x3C0;
	v16 =	vld.idx.msk [tilespmem:v13+s30+$0x0 ss:$0x1], $0xffff;
	_ =	sdelay $0x1  }
0x64: {  	v17 =	vld.idx.msk [tilespmem:v14+s30+$0x0 ss:$0x1], $0xffff;
	_ =	sdelay $0x3  }
0x65: {  	v15 =	vmul.f32 v6, v15;
	v16 =	vmul.f32 v7, v16;
	v18 =	vld.idx.msk [tilespmem:v11+s30+$0x0 ss:$0x1], $0xffff;
	_ =	sdelay $0x1  }
0x66: {  	v15 =	vadd.f32 v16, v15;
	v16 =	vmul.f32 v8, v17;
	_ =	sdelay $0x1  }
0x67: {  	v15 =	vadd.f32 v16, v15;
	_ =	sdelay $0x1  }
0x68: {  	v16 =	vadd.f32 v18, v5;
	v15 =	vadd.f32 v15, v15;
	_ =	sdelay $0x1  }
.Ltmp1:
0x69: {  	v15 =	vsub.f32 v16, v15;
	(pc) =	sbr.rel @p0 .LBB2_6-.Ltmp1, $4  }
0x6a: {  	_ = 	snop  }
0x6b: {  	v15 =	vmax.f32 v15, $0.0e+00  }
0x6c: {  	v9 =	vmin.f32 v9, v15;
	[tilespmem:v10+s30+$0x0 ss:$0x1] =	vst.idx.msk $0xffff, v15;
	s30 =	sshra.s32 s31, $0x2  }
0x6d: {  	s31 =	sadd.s32 $0x40, s31;
	v15 =	vld.idx.msk [tilespmem:v12+s30+$0x0 ss:$0x1], $0xffff  }
0x6e: {  	_ =	sdelay $0x3  }
0x6f: {  	v12 =	vld.idx.msk [tilespmem:v13+s30+$0x0 ss:$0x1], $0xffff;
	_ =	sdelay $0x1  }
0x70: {  	v62 =	vld.idx.msk [tilespmem:v14+s30+$0x0 ss:$0x1], $0xffff;
	_ =	sdelay $0x2  }
0x71: {  	v63 =	vmul.f32 v6, v15;
	v12 =	vmul.f32 v7, v12  }
0x72: {  	v11 =	vld.idx.msk [tilespmem:v11+s30+$0x0 ss:$0x1], $0xffff  }
0x73: {  	v13 =	vmul.f32 v8, v62;
	v12 =	vadd.f32 v12, v63;
	_ =	sdelay $0x1  }
0x74: {  	v12 =	vadd.f32 v13, v12;
	_ =	sdelay $0x1  }
0x75: {  	v11 =	vadd.f32 v11, v5;
	v12 =	vadd.f32 v12, v12;
	_ =	sdelay $0x1  }
0x76: {  	v11 =	vsub.f32 v11, v12;
	_ =	sdelay $0x1  }
0x77: {  	v11 =	vmax.f32 v11, $0.0e+00  }
0x78: {  	v9 =	vmin.f32 v9, v11  }
0x79: {  	(xrf0) =	vmin.scan.msk.f32 $0xffff, v9;
	_ =	sdelay $0x2  }
0x7a: {  	s0 =	sand.u32 $0x30, s29;
	[tilespmem:v10+s30+$0x0 ss:$0x1] =	vst.idx.msk $0xffff, v11  }
0x7b: {  	s31 =	sand.u32 $0xF, s29;
	s29 =	sadd.s32 $0x1, s29;
	v9 =	vld [tilespmem:s0+$0x14000]  }
0x7c: {  	p0 =	seq.s32 s29, $0x40  }
.Ltmp2:
0x7d: {  	v10, _, _ =	vpop (xrf0);
	(pc) =	sbr.rel @!p0 .LBB2_5-.Ltmp2, $4  }
0x7e: {  	v11 =	vmov s31;
	v10 =	vbroadcast v10, $0xF  }
0x7f: {  	vm1 =	veq.s32 v11, v0  }
0x80: {  	s28 =	sadd.s32 $0x100, s28;
	s23 =	sadd.s32 $0x100, s23;
	v9 =	vsel vm1, v10, v9  }
0x81: {  	s24 =	sadd.s32 $0x100, s24;
	s25 =	sadd.s32 $0x100, s25;
	s26 =	sadd.s32 $0x100, s26;
	[tilespmem:s0+$0x14000] =	vst v9  }
0x82: {  	s24 =	sshll.u32 s21, $0x6  }
0x83: {  	s25 =	simm.s32 $0x0;
	s23 =	simm.s32 $0x0;
	s26 =	simm.s32 $0x0  }
.LBB2_9:
0x84: {  	v7 =	vld [tilespmem:$0x14000]  }
0x85: {  	v8 =	vld [tilespmem:$0x14010]  }
0x86: {  	v9 =	vld [tilespmem:$0x14020]  }
0x87: {  	v10 =	vld [tilespmem:$0x14030];
	_ =	sdelay $0x2  }
0x88: {  	v5 =	vmin.f32 v7, v8  }
0x89: {  	v5 =	vmin.f32 v5, v9  }
0x8a: {  	v5 =	vmin.f32 v5, v10  }
0x8b: {  	(xrf0) =	vmin.scan.msk.f32 $0xffff, v5;
	_ =	sdelay $0x5  }
0x8c: {  	v5, _, _ =	vpop (xrf0)  }
0x8d: {  	v6 =	vbroadcast v5, $0xF;
	_ =	sdelay $0x1  }
0x8e: {  	vm1 =	veq.f32 v10, v6  }
0x8f: {  	vm2 =	veq.f32 v9, v6;
	v9 =	vnsel vm1, $0xC0000000, v1  }
0x90: {  	vm1 =	veq.f32 v8, v6;
	v8 =	vsel vm2, v2, v9  }
0x91: {  	vm2 =	veq.f32 v7, v6;
	v7 =	vsel vm1, v3, v8  }
0x92: {  	v7 =	vsel vm2, v4, v7  }
0x93: {  	(xrf0) =	vmin.scan.msk.u32 $0xffff, v7;
	_ =	sdelay $0x5  }
0x94: {  	v7, _, _ =	vpop (xrf0)  }
0x95: {  	(v2sf) =	vpush v7, $0xF;
	_ =	sdelay $0xe  }
0x96: {  	s28 =	spop (v2sf)  }
0x97: {  	s30 =	sshll.u32 s28, $0x8  }
0x98: {  	s0 =	sand.u32 $0x80, s25;
	s29 =	sadd.s32 $0x10000, s30  }
0x99: {  	s31 =	sand.u32 $0x70, s25;
	s0 =	sadd.s32 s0, s29  }
0x9a: {  	s0 =	sadd.s32 s31, s0  }
0x9b: {  	v8 =	vld [tilespmem:s0+$0x0]  }
0x9c: {  	v7 =	vimm.s32 $0x40000000;
	s31 =	simm.s32 $0x10;
	s0 =	simm.s32 $0x0  }
.LBB2_10:
0x9d: {  	s2 =	sand.u32 $0x80, s31  }
0x9e: {  	p0 =	sne.s32 s31, $0xF0;
	s1 =	smov.u32 s31;
	s31 =	sadd.s32 $0x10, s31  }
.Ltmp3:
0x9f: {  	s13 =	sand.u32 $0x70, s1;
	s2 =	sadd.s32 s2, s29;
	(pc) =	sbr.rel @p0 .LBB2_10-.Ltmp3, $4  }
0xa0: {  	v9 =	vor.u32 s0, v0;
	s0 =	smov.u32 s1;
	s2 =	sadd.s32 s13, s2;
	vm1 =	veq.f32 v8, v6  }
0xa1: {  	v8 =	vld [tilespmem:s2+$0x0];
	v9 =	vnsel vm1, $0x40000000, v9  }
0xa2: {  	vm1 =	vlt.s32 v7, v9  }
0xa3: {  	v7 =	vsel vm1, v7, v9  }
0xa4: {  	_ =	sdelay $0x1  }
0xa5: {  	vm1 =	veq.f32 v8, v6;
	v6 =	vor.u32 s0, v0  }
0xa6: {  	v6 =	vnsel vm1, $0x40000000, v6  }
0xa7: {  	vm1 =	vlt.s32 v7, v6  }
0xa8: {  	v6 =	vsel vm1, v7, v6  }
0xa9: {  	v6 =	vxor.u32 $0x80000000, v6  }
0xaa: {  	(xrf0) =	vmin.scan.msk.u32 $0xffff, v6;
	_ =	sdelay $0x5  }
0xab: {  	v6, _, _ =	vpop (xrf0)  }
0xac: {  	(v2sf) =	vpush v6, $0xF;
	_ =	sdelay $0xe  }
0xad: {  	s31 =	spop (v2sf)  }
0xae: {  	s1 =	sadd.s32 s31, s30  }
0xaf: {  	s0 =	sand.u32 $0xF, s31;
	s29 =	sadd.s32 $0x80000000, s1  }
0xb0: {  	p1 =	sne.s32 s0, $0x0;
	s1 =	sshra.s32 s29, $0x1F;
	p0 =	slt.s32 s29, $0x1  }
0xb1: {  	s2 =	sshrl.u32 s1, $0x1C;
	p0 =	por !p1, !p0  }
0xb2: {  	s1 =	simm.s32 $0x1;
	s0 =	sadd.s32 s2, s29;
	p0 =	por !p0, !p0  }
0xb3: {  	s0 =	sshrl.u32 s0, $0x4;
	s1 =	simm.s32 @!p0 $0x0  }
0xb4: {  	s0 =	ssub.s32 s0, s1  }
0xb5: {  	s0 =	sshll.u32 s0, $0x4  }
0xb6: {  	v6 =	vld [tilespmem:s0+$0x10000];
	_ =	sdelay $0x1  }
0xb7: {  	s13 =	ssub.s32 s29, s0  }
0xb8: {  	v7 =	vmov s13  }
0xb9: {  	vm1 =	veq.s32 v7, v0  }
0xba: {  	v6 =	vsel vm1, $0x7F61B1E6, v6  }
0xbb: {  	[tilespmem:s0+$0x10000] =	vst v6  }
0xbc: {  	v6 =	vld [tilespmem:s30+$0x10000]  }
0xbd: {  	v7 =	vld [tilespmem:s30+$0x10010]  }
0xbe: {  	v55 =	vld [tilespmem:s30+$0x10020]  }
0xbf: {  	v9 =	vld [tilespmem:s30+$0x10030]  }
0xc0: {  	v10 =	vld [tilespmem:s30+$0x10040]  }
0xc1: {  	v11 =	vld [tilespmem:s30+$0x10050];
	v6 =	vmin.f32 v6, $3.000000010e+38  }
0xc2: {  	v6 =	vmin.f32 v6, v7;
	v7 =	vld [tilespmem:s30+$0x10060]  }
0xc3: {  	v56 =	vld [tilespmem:s30+$0x10070];
	v6 =	vmin.f32 v6, v55  }
0xc4: {  	v57 =	vld [tilespmem:s30+$0x10080];
	v6 =	vmin.f32 v6, v9  }
0xc5: {  	v58 =	vld [tilespmem:s30+$0x10090];
	v6 =	vmin.f32 v6, v10  }
0xc6: {  	v59 =	vld [tilespmem:s30+$0x100A0];
	v6 =	vmin.f32 v6, v11  }
0xc7: {  	v6 =	vmin.f32 v6, v7;
	v7 =	vld [tilespmem:s30+$0x100B0]  }
0xc8: {  	v60 =	vld [tilespmem:s30+$0x100C0];
	v6 =	vmin.f32 v6, v56  }
0xc9: {  	v61 =	vld [tilespmem:s30+$0x100D0];
	v6 =	vmin.f32 v6, v57  }
0xca: {  	v62 =	vld [tilespmem:s30+$0x100E0];
	v6 =	vmin.f32 v6, v58  }
0xcb: {  	(v2sf) =	vpush v5, $0xF;
	v63 =	vld [tilespmem:s30+$0x100F0];
	v6 =	vmin.f32 v6, v59  }
0xcc: {  	v6 =	vmin.f32 v6, v7  }
0xcd: {  	s30 =	sxor.u32 $0x80000000, s28;
	v6 =	vmin.f32 v6, v60  }
0xce: {  	p3 =	sgt.s32 s28, $0xFFFFFFFF;
	s31 =	sand.u32 $0xF, s28;
	p2 =	slt.s32 s30, $0x1;
	v6 =	vmin.f32 v6, v61  }
0xcf: {  	p4 =	sne.s32 s31, $0x0;
	s2 =	sshra.s32 s30, $0x1F;
	p0 =	por p3, p2;
	v6 =	vmin.f32 v6, v62  }
0xd0: {  	s13 =	sshrl.u32 s2, $0x1C;
	p0 =	por !p4, !p0;
	v5 =	vmin.f32 v6, v63  }
0xd1: {  	s2 =	simm.s32 $0x1;
	s1 =	sadd.s32 s13, s30;
	p0 =	por !p0, !p0;
	(xrf0) =	vmin.scan.msk.f32 $0xffff, v5  }
0xd2: {  	s1 =	sshrl.u32 s1, $0x4;
	s2 =	simm.s32 @!p0 $0x0  }
0xd3: {  	s1 =	ssub.s32 s1, s2  }
0xd4: {  	s28 =	sadd.s32 s24, s26;
	s13 =	sand.u32 $0xF, s26;
	s1 =	sshll.u32 s1, $0x4  }
0xd5: {  	p5 =	seq.s32 s28, $0x0;
	p6 =	sne.s32 s13, $0x0;
	v5 =	vld [tilespmem:s1+$0x14000]  }
0xd6: {  	p0 =	por !p5, !p6  }
0xd7: {  	s13 =	simm.s32 $0xFFFFFFFF;
	p0 =	por !p0, !p0;
	s0 =	ssub.s32 s30, s1;
	v6, _, _ =	vpop (xrf0)  }
0xd8: {  	s13 =	simm.s32 @!p0 $0x0;
	v7 =	vmov s0;
	v6 =	vbroadcast v6, $0xF  }
0xd9: {  	s30 =	sshll.u32 s13, $0x4;
	vm1 =	veq.s32 v7, v0  }
0xda: {  	s31 =	spop (v2sf);
	s0 =	sadd.s32 s28, s30;
	v5 =	vsel vm1, v6, v5  }
0xdb: {  	p0 =	sle.f32 s31, $3.999999910e-02;
	s0 =	sand.u32 $0xFFFFFFF0, s0;
	[tilespmem:s1+$0x14000] =	vst v5  }
0xdc: {  	s26 =	sadd.s32 $0x1, s26;
	s1 =	simm.s32 $0x1;
	v5 =	vld [tilespmem:s0+$0x14080]  }
0xdd: {  	s1 =	simm.s32 @!p0 $0x0;
	p0 =	sne.s32 s26, $0x40  }
.Ltmp4:
0xde: {  	s2 =	ssub.s32 s28, s0;
	(pc) =	sbr.rel @p0 .LBB2_9-.Ltmp4, $4  }
0xdf: {  	v6 =	vmov s2  }
0xe0: {  	vm1 =	veq.s32 v6, v0  }
0xe1: {  	v5 =	vsel vm1, s29, v5  }
0xe2: {  	s23 =	sadd.s32 s1, s23;
	[tilespmem:s0+$0x14080] =	vst v5  }
0xe3: {  	v5 =	vld [tilespmem:s22+$0x16080];
	s21 =	sadd.s32 $0x1, s21  }
0xe4: {  	p0 =	sne.s32 s21, $0x80  }
.Ltmp5:
0xe5: {  	_ = 	snop;
	(pc) =	sbr.rel @p0 .LBB2_4-.Ltmp5, $3  }
0xe6: {  	_ =	sdelay $0x1  }
0xe7: {  	v5 =	vsel vm0, s23, v5  }
0xe8: {  	[tilespmem:s22+$0x16080] =	vst v5  }
0xe9: {  	[hbm4b:s9+s3] =	stream.linear.scatter [tilespmem:s18], [sflag:$0x1], $0x2000, $0x38;
	[tilespmem:$0x16280] =	vst v63  }
0xea: {  	s20 =	sadd.s32 $0x1, s20;
	_ =	swait.ge [sflag:s12], $0x2000  }
0xeb: {  	p0 =	sne.s32 s20, s11;
	[sflag:s12] =	ssyncset.done $0x0  }
.Ltmp6:
0xec: {  	[sflag:s12] =	ssyncadd.s32 $0xFFFFE000;
	(pc) =	sbr.rel @p0 .LBB2_1-.Ltmp6, $4  }
0xed: {  	[hbm4b:s10+s3] =	stream.linear.scatter [tilespmem:s19], [sflag:$0x1], $0x80, $0x38;
	[tilespmem:$0x16280] =	vst v63  }
0xee: {  	_ =	swait.ge [sflag:s12], $0x80  }
0xef: {  	[sflag:s12] =	ssyncset.done $0x0  }
0xf0: {  	[sflag:s12] =	ssyncadd.s32 $0xFFFFFF80  }
0xf1: {  	_ =	sfence.sel $0x180000  }
0xf2: {  	[bflag:$0x0] =	sbarrier.arrive $0xFFFF  }
0xf3: {  	_ =	strace $0x9000004A  }
0xf4: {  	s0 =	stileid.u32;
	[bflag:$0x2] =	sbarrier.arrive $0xFFFF  }
0xf5: {  	p0 =	sne.s32 s0, $0x0;
	s0 =	rddreg [dreg:$0x2]  }
0xf6: {  	s0 =	sadd.s32 @!p0 $0x100000, s0  }
0xf7: {  	[sflag:s0] =	ssyncadd.tile.s32 @!p0 $0x1;
	_ =	shalt  }
.Lfunc_end2:
_tile_overlayer_lowered:
.L_overlay_start_2:
0xf8: {  	(tag) =	ssettag $0x2  }
0xf9: {  	s0 =	rddreg [dreg:$0x0];
	s2 =	stileid.u32  }
0xfa: {  	s1 =	rddreg [dreg:$0x1];
	p0 =	sne.s32 s2, $0x0  }
0xfb: {  	s3 =	rddreg [dreg:$0x2];
	[bflag:$0x3] =	sbarrier.arrive $0xFFFF;
	s2 =	simm.s32 @!p0 $0x1C01  }
0xfc: {  	[timem:s3], [sflag:s2] =	dma.local @!p0 [hbm:s0], s1  }
0xfd: {  	s0 =	simm.s32 @!p0 $0x1  }
0xfe: {  	_ =	swait.ge @!p0 [sflag:s0], s1  }
0xff: {  	s1 =	ssub.s32 @!p0 $0x0, s1;
	[sflag:s0] =	ssyncset.done @!p0 $0x0  }
0x100: {  	[sflag:s0] =	ssyncadd.s32 @!p0 s1  }
0x101: {  	[bflag:$0x3] =	sbarrier.arrive $0xFFFF  }
0x102: {  	_ =	shalt  }

</sc_bundles>
